<compile_context>
chip_gen: v7x
topology: tpu7x:2x2x1
jax: 0.10.2.dev20260603
libtpu: 0.0.44.dev20260713+nightly
codegen_flags: <defaults>
</compile_context>

<pallas_src>
import functools

import jax
import jax.numpy as jnp
from jax import lax
from jax.experimental import pallas as pl
from jax.experimental.pallas import tpu as pltpu
from jax.experimental.pallas import tpu_sc as plsc

B, N, C = 8, 4096, 32
G, K = 512, 32
D = 2 * C
GK = G * K
CHUNK = 4096
NCHUNK = GK // CHUNK


def _fps_kernel(xyzT_ref, cent_ref, nxyzT_ref):
    xs = xyzT_ref[0]
    ys = xyzT_ref[1]
    zs = xyzT_ref[2]
    col = jax.lax.broadcasted_iota(jnp.int32, (B, N), 1)
    gcol = jax.lax.broadcasted_iota(jnp.int32, (B, G), 1)

    def body(i, carry):
        dist, far, cent, nx, ny, nz = carry
        mask = col == far
        cx = jnp.sum(jnp.where(mask, xs, 0.0), axis=1, keepdims=True)
        cy = jnp.sum(jnp.where(mask, ys, 0.0), axis=1, keepdims=True)
        cz = jnp.sum(jnp.where(mask, zs, 0.0), axis=1, keepdims=True)
        rec = gcol == i
        cent = jnp.where(rec, far, cent)
        nx = jnp.where(rec, cx, nx)
        ny = jnp.where(rec, cy, ny)
        nz = jnp.where(rec, cz, nz)
        d = (xs - cx) ** 2 + (ys - cy) ** 2 + (zs - cz) ** 2
        dist = jnp.minimum(dist, d)
        m = jnp.max(dist, axis=1, keepdims=True)
        far = jnp.min(jnp.where(dist == m, col, N), axis=1, keepdims=True)
        return (dist, far, cent, nx, ny, nz)

    dist0 = xs * 0.0 + 1e10
    far0 = (xs[:, :1] * 0.0).astype(jnp.int32)
    nx0 = xs[:, :G] * 0.0
    cent0 = nx0.astype(jnp.int32)
    _, _, cent, nx, ny, nz = jax.lax.fori_loop(
        0, G, body, (dist0, far0, cent0, nx0, nx0 + 0.0, nx0 + 0.0))
    cent_ref[...] = cent + N * jax.lax.broadcasted_iota(jnp.int32, (B, G), 0)
    nxyzT_ref[0] = nx
    nxyzT_ref[1] = ny
    nxyzT_ref[2] = nz


def _fps(xyzT):
    cent, nxyzT = pl.pallas_call(
        _fps_kernel,
        in_specs=[pl.BlockSpec((3, B, N), lambda: (0, 0, 0))],
        out_specs=[pl.BlockSpec((B, G), lambda: (0, 0)),
                   pl.BlockSpec((3, B, G), lambda: (0, 0, 0))],
        out_shape=[jax.ShapeDtypeStruct((B, G), jnp.int32),
                   jax.ShapeDtypeStruct((3, B, G), jnp.float32)],
    )(xyzT)
    return cent, nxyzT


def _knn_kernel(xyzT_ref, nxyz_ref, idx_ref):
    t = xyzT_ref[0]
    xs = t[0:1]
    ys = t[1:2]
    zs = t[2:3]
    nxyz = nxyz_ref[0]
    sa = jnp.sum(nxyz * nxyz, axis=1, keepdims=True)
    sx = xs * xs + ys * ys + zs * zs
    def _dotf(a, b):
        return jax.lax.dot_general(a, b, (((1,), (0,)), ((), ())),
                                   preferred_element_type=jnp.float32)

    mm = _dotf(nxyz, t)
    dist = (sa + sx) - 2.0 * mm
    col = jax.lax.broadcasted_iota(jnp.int32, (G, N), 1)
    kcol = jax.lax.broadcasted_iota(jnp.int32, (G, K), 1)

    def body(k, carry):
        dist, idxacc = carry
        m = jnp.min(dist, axis=1, keepdims=True)
        hit = dist == m
        amin = jnp.min(jnp.where(hit, col, N), axis=1, keepdims=True)
        idxacc = jnp.where(kcol == k, amin, idxacc)
        dist = jnp.where(jnp.logical_and(hit, col == amin), 1e30, dist)
        return (dist, idxacc)

    idx0 = (dist[:, :K] * 0.0).astype(jnp.int32)
    _, idxacc = jax.lax.fori_loop(0, K, body, (dist, idx0))
    idx_ref[0] = idxacc + N * pl.program_id(0)


def _knn(xyzT, new_xyz):
    return pl.pallas_call(
        _knn_kernel,
        grid=(B,),
        in_specs=[pl.BlockSpec((1, 3, N), lambda b: (b, 0, 0)),
                  pl.BlockSpec((1, G, 3), lambda b: (b, 0, 0))],
        out_specs=pl.BlockSpec((1, G, K), lambda b: (b, 0, 0)),
        out_shape=jax.ShapeDtypeStruct((B, G, K), jnp.int32),
    )(xyzT, new_xyz)



def _sc_gather(points_flat, gidx_flat, n_rows, chunk):
    info = plsc.get_sparse_core_info()
    nw = info.num_cores * info.num_subcores
    rows_per_w = n_rows // nw
    n_chunks = rows_per_w // chunk
    mesh = plsc.VectorSubcoreMesh(core_axis_name="c", subcore_axis_name="s")

    @functools.partial(
        pl.kernel, mesh=mesh,
        out_type=jax.ShapeDtypeStruct((n_rows, C), jnp.float32),
        compiler_params=pltpu.CompilerParams(use_tc_tiling_on_sc=False),
        scratch_types=[
            pltpu.VMEM((chunk,), jnp.int32),
            pltpu.VMEM((chunk, C), jnp.float32),
            pltpu.SemaphoreType.DMA,
        ],
    )
    def k(points_hbm, idx_hbm, out_hbm, idx_v, rows_v, sem):
        wid = lax.axis_index("s") * info.num_cores + lax.axis_index("c")
        base = wid * rows_per_w

        def chunk_body(j, carry):
            off = base + j * chunk
            pltpu.sync_copy(idx_hbm.at[pl.ds(off, chunk)], idx_v)
            pltpu.async_copy(points_hbm.at[idx_v], rows_v, sem).wait()
            pltpu.sync_copy(rows_v, out_hbm.at[pl.ds(off, chunk)])
            return carry

        lax.fori_loop(0, n_chunks, chunk_body, 0)

    return k(points_flat, gidx_flat)



GB = CHUNK // K


def _expand_mean(npc):
    return jnp.broadcast_to(npc[:, None, :], (GB, K, C)).reshape(CHUNK, C)


def _stats_kernel(g_ref, m_ref, s_ref, ss_ref):
    b = pl.program_id(0)
    c = pl.program_id(1)
    d = g_ref[0] - _expand_mean(m_ref[0])

    @pl.when(c == 0)
    def _():
        s_ref[b] = 0.0
        ss_ref[b] = 0.0

    s_ref[b] += jnp.sum(d)
    ss_ref[b] += jnp.sum(d * d)


def _layer1_kernel(g_ref, m_ref, inv_ref, w_ref, y1_ref, s1_ref, ss1_ref):
    b = pl.program_id(0)
    c = pl.program_id(1)
    inv = inv_ref[b]
    m = _expand_mean(m_ref[0])
    d = (g_ref[0] - m) * inv
    x = jnp.concatenate([d, m], axis=1)
    y1 = jax.lax.dot_general(w_ref[...], x, (((1,), (1,)), ((), ())),
                             preferred_element_type=jnp.float32)
    y1_ref[0] = y1

    @pl.when(jnp.logical_and(b == 0, c == 0))
    def _():
        s1_ref[...] = jnp.zeros_like(s1_ref)
        ss1_ref[...] = jnp.zeros_like(ss1_ref)

    s1_ref[...] += jnp.sum(y1, axis=1)[None, :]
    ss1_ref[...] += jnp.sum(y1 * y1, axis=1)[None, :]


def _layer2_kernel(y1_ref, a1_ref, c1_ref, w_ref, y2_ref, s2_ref, ss2_ref):
    b = pl.program_id(0)
    c = pl.program_id(1)
    a1 = a1_ref[...]
    c1 = c1_ref[...]
    h1 = jnp.maximum(a1 * y1_ref[0] + c1, 0.0)
    y2 = jax.lax.dot_general(w_ref[...], h1, (((1,), (0,)), ((), ())),
                             preferred_element_type=jnp.float32)
    y2_ref[0] = y2

    @pl.when(jnp.logical_and(b == 0, c == 0))
    def _():
        s2_ref[...] = jnp.zeros_like(s2_ref)
        ss2_ref[...] = jnp.zeros_like(ss2_ref)

    s2_ref[...] += jnp.sum(y2, axis=1)[None, :]
    ss2_ref[...] += jnp.sum(y2 * y2, axis=1)[None, :]


def _finish_kernel(y2_ref, a2_ref, c2_ref, out_ref):
    a2 = a2_ref[...]
    c2 = c2_ref[...]
    h2 = jnp.maximum(a2 * y2_ref[0] + c2, 0.0)
    out_ref[0] = jnp.max(h2.reshape(D, CHUNK // K, K), axis=-1)


def _dense_stages(grouped2d, new_points, affine_alpha, affine_beta,
                  w1, g1, b1, w2, g2, b2):
    f32 = jnp.float32
    s, ss = pl.pallas_call(
        _stats_kernel,
        grid=(B, NCHUNK),
        in_specs=[
            pl.BlockSpec((1, CHUNK, C), lambda b, c: (b, c, 0)),
            pl.BlockSpec((1, GB, C), lambda b, c: (b, c, 0)),
        ],
        out_specs=[
            pl.BlockSpec(memory_space=pltpu.SMEM),
            pl.BlockSpec(memory_space=pltpu.SMEM),
        ],
        out_shape=[jax.ShapeDtypeStruct((B,), f32),
                   jax.ShapeDtypeStruct((B,), f32)],
    )(grouped2d, new_points)
    n = float(G * K * C)
    std = jnp.sqrt((ss - s * s / n) / (n - 1.0))
    inv = 1.0 / (std + 1e-5)

    alpha = affine_alpha.reshape(C)
    w1a = w1[:, :C] * alpha[None, :]
    wcat = jnp.concatenate([w1a, w1[:, C:]], axis=1)

    y1, s1, ss1 = pl.pallas_call(
        _layer1_kernel,
        grid=(B, NCHUNK),
        in_specs=[
            pl.BlockSpec((1, CHUNK, C), lambda b, c: (b, c, 0)),
            pl.BlockSpec((1, GB, C), lambda b, c: (b, c, 0)),
            pl.BlockSpec(memory_space=pltpu.SMEM),
            pl.BlockSpec((D, D), lambda b, c: (0, 0)),
        ],
        out_specs=[
            pl.BlockSpec((1, D, CHUNK), lambda b, c: (b, 0, c)),
            pl.BlockSpec((1, D), lambda b, c: (0, 0)),
            pl.BlockSpec((1, D), lambda b, c: (0, 0)),
        ],
        out_shape=[jax.ShapeDtypeStruct((B, D, GK), f32),
                   jax.ShapeDtypeStruct((1, D), f32),
                   jax.ShapeDtypeStruct((1, D), f32)],
    )(grouped2d, new_points, inv, wcat)

    n1 = float(B * GK)
    mu1 = s1[0] / n1
    var1 = ss1[0] / n1 - mu1 * mu1
    rs1 = 1.0 / jnp.sqrt(var1 + 1e-5)
    gamma1 = g1.reshape(D)
    a1 = (gamma1 * rs1).reshape(D, 1)
    c1 = (b1.reshape(D) - gamma1 * rs1 * mu1).reshape(D, 1)

    y2, s2, ss2 = pl.pallas_call(
        _layer2_kernel,
        grid=(B, NCHUNK),
        in_specs=[
            pl.BlockSpec((1, D, CHUNK), lambda b, c: (b, 0, c)),
            pl.BlockSpec((D, 1), lambda b, c: (0, 0)),
            pl.BlockSpec((D, 1), lambda b, c: (0, 0)),
            pl.BlockSpec((D, D), lambda b, c: (0, 0)),
        ],
        out_specs=[
            pl.BlockSpec((1, D, CHUNK), lambda b, c: (b, 0, c)),
            pl.BlockSpec((1, D), lambda b, c: (0, 0)),
            pl.BlockSpec((1, D), lambda b, c: (0, 0)),
        ],
        out_shape=[jax.ShapeDtypeStruct((B, D, GK), f32),
                   jax.ShapeDtypeStruct((1, D), f32),
                   jax.ShapeDtypeStruct((1, D), f32)],
    )(y1, a1, c1, w2)

    mu2 = s2[0] / n1
    var2 = ss2[0] / n1 - mu2 * mu2
    rs2 = 1.0 / jnp.sqrt(var2 + 1e-5)
    gamma2 = g2.reshape(D)
    a2 = (gamma2 * rs2).reshape(D, 1)
    c2 = (b2.reshape(D) - gamma2 * rs2 * mu2).reshape(D, 1)

    out = pl.pallas_call(
        _finish_kernel,
        grid=(B, NCHUNK),
        in_specs=[
            pl.BlockSpec((1, D, CHUNK), lambda b, c: (b, 0, c)),
            pl.BlockSpec((D, 1), lambda b, c: (0, 0)),
            pl.BlockSpec((D, 1), lambda b, c: (0, 0)),
        ],
        out_specs=pl.BlockSpec((1, D, CHUNK // K), lambda b, c: (b, 0, c)),
        out_shape=jax.ShapeDtypeStruct((B, D, G), f32),
    )(y2, a2, c2)
    return out


def kernel(xyz, points, affine_alpha, affine_beta, w1, g1, b1, w2, g2, b2):
    xyzT = jnp.transpose(xyz, (2, 0, 1))
    fps_idx, nxyzT = _fps(xyzT)
    new_xyz = jnp.transpose(nxyzT, (1, 2, 0))
    idx = _knn(jnp.transpose(xyz, (0, 2, 1)), new_xyz)
    points_flat = points.reshape(B * N, C)
    new_points = _sc_gather(points_flat, fps_idx.reshape(B * G),
                            B * G, 128).reshape(B, G, C)
    grouped2d = _sc_gather(points_flat, idx.reshape(B * G * K),
                           B * G * K, 2048).reshape(B, GK, C)
    out = _dense_stages(grouped2d, new_points, affine_alpha, affine_beta,
                        w1, g1, b1, w2, g2, b2)
    return (new_xyz, out)

# --- scband reference (transcript-rebuilt; emitter-appended) ---
"""Pipeline reference for scband-point-cloud-transformer-set-abstraction-25563645346380 (READ-ONLY COPY).

The authoritative reference and input builder live on the scoring server;
editing this copy changes nothing except your own understanding.
"""

import jax, jax.numpy as jnp
import numpy as np


def square_distance(src, dst):
    return jnp.sum(src ** 2, axis=-1)[..., None] + jnp.sum(dst ** 2, axis=-1)[..., None, :] - 2.0 * jnp.matmul(src, jnp.swapaxes(dst, 1, 2))


def index_points(points, idx):
    return jax.vmap(lambda p, i: p[i])(points, idx)


def farthest_point_sample(xyz, npoint):
    B, N, _ = xyz.shape

    def body(i, carry):
        centroids, distance, farthest = carry
        centroids = centroids.at[:, i].set(farthest)
        centroid = jnp.take_along_axis(xyz, farthest[:, None, None], axis=1)
        dist = jnp.sum((xyz - centroid) ** 2, axis=-1)
        distance = jnp.minimum(distance, dist)
        farthest = jnp.argmax(distance, axis=-1).astype(jnp.int32)
        return (centroids, distance, farthest)

    centroids = jnp.zeros((B, npoint), dtype=jnp.int32)
    distance = jnp.full((B, N), 1e10, dtype=xyz.dtype)
    farthest = jnp.zeros((B,), dtype=jnp.int32)
    centroids, _, _ = jax.lax.fori_loop(0, npoint, body, (centroids, distance, farthest))
    return centroids


def knn_point(nsample, xyz, new_xyz):
    sqrdists = square_distance(new_xyz, xyz)
    _, group_idx = jax.lax.top_k(-sqrdists, nsample)
    return group_idx


def batch_norm(x, gamma, beta):
    mean = jnp.mean(x, axis=(0, 2), keepdims=True)
    var = jnp.var(x, axis=(0, 2), keepdims=True)
    return gamma * (x - mean) / jnp.sqrt(var + 1e-5) + beta


def local_op(x, w1, g1, b1, w2, g2, b2):
    b, n, s, d = x.shape
    x = jnp.transpose(x, (0, 1, 3, 2)).reshape(-1, d, s)
    x = jax.nn.relu(batch_norm(jnp.einsum('oc,bcl->bol', w1, x), g1, b1))
    x = jax.nn.relu(batch_norm(jnp.einsum('oc,bcl->bol', w2, x), g2, b2))
    x = jnp.max(x, axis=2)
    x = x.reshape(b, n, -1)
    return jnp.transpose(x, (0, 2, 1))


def setup_inputs(seed: int = 0):
    key = jax.random.key(seed)
    ks = jax.random.split(key, 4)
    B, N, C = 8, 4096, 32
    xyz = jax.random.normal(ks[0], (B, N, 3), dtype=jnp.float32)
    points = jax.random.normal(ks[1], (B, N, C), dtype=jnp.float32)
    affine_alpha = jnp.ones((1, 1, 1, C), dtype=jnp.float32)
    affine_beta = jnp.zeros((1, 1, 1, C), dtype=jnp.float32)
    w1 = jax.random.normal(ks[2], (64, 64), dtype=jnp.float32) * 0.05
    g1 = jnp.ones((1, 64, 1), dtype=jnp.float32)
    b1 = jnp.zeros((1, 64, 1), dtype=jnp.float32)
    w2 = jax.random.normal(ks[3], (64, 64), dtype=jnp.float32) * 0.05
    g2 = jnp.ones((1, 64, 1), dtype=jnp.float32)
    b2 = jnp.zeros((1, 64, 1), dtype=jnp.float32)
    return {'xyz': xyz, 'points': points, 'affine_alpha': affine_alpha, 'affine_beta': affine_beta, 'w1': w1, 'g1': g1, 'b1': b1, 'w2': w2, 'g2': g2, 'b2': b2}


def reference(xyz, points, affine_alpha, affine_beta, w1, g1, b1, w2, g2, b2):
    groups, kneighbors = 512, 32
    B = xyz.shape[0]
    fps_idx = farthest_point_sample(jax.lax.stop_gradient(xyz), groups)
    new_xyz = index_points(xyz, fps_idx)
    new_points = index_points(points, fps_idx)
    idx = knn_point(kneighbors, jax.lax.stop_gradient(xyz), jax.lax.stop_gradient(new_xyz))
    grouped_points = index_points(points, idx)
    mean = new_points[:, :, None, :]
    std = jnp.std((grouped_points - mean).reshape(B, -1), axis=-1, ddof=1)[:, None, None, None]
    grouped_points = (grouped_points - mean) / (std + 1e-05)
    grouped_points = affine_alpha * grouped_points + affine_beta
    np_exp = jnp.broadcast_to(new_points[:, :, None, :], (B, groups, kneighbors, new_points.shape[-1]))
    new_feat = jnp.concatenate([grouped_points, np_exp], axis=-1)
    out = local_op(new_feat, w1, g1, b1, w2, g2, b2)
    return (new_xyz, out)

if __name__ == "__main__":
    import jax
    _d = setup_inputs()
    print(jax.jit(kernel)(*tuple(_d.values())))

</pallas_src>

<mosaic_0001>
#map = affine_map<(d0, d1) -> (0, 0)>
#map1 = affine_map<(d0, d1) -> (0)>
module attributes {stable_mosaic.version = 14 : i64} {
  func.func @k(%arg0: i32, %arg1: i32, %arg2: memref<32768x32xf32, #tpu.memory_space<hbm>>, %arg3: memref<131072xi32, #tpu.memory_space<hbm>>, %arg4: memref<131072x32xf32, #tpu.memory_space<hbm>>, %arg5: memref<2048xi32, #tpu.memory_space<vmem>>, %arg6: memref<2048x32xf32, #tpu.memory_space<vmem>>, %arg7: memref<!tpu.dma_semaphore, #tpu.memory_space<semaphore_mem>>) attributes {dimension_semantics = [#tpu.dimension_semantics<core_parallel>, #tpu.dimension_semantics<subcore_parallel>], iteration_bounds = array<i64: 2, 16>, scalar_prefetch = 0 : i64, scratch_operands = 3 : i64, tpu.core_type = #tpu.core_type<sc_vector_subcore>, window_params = [{transform_indices = #map}, {transform_indices = #map1}, {transform_indices = #map}]} {
    %mul3A = arith.constant 2 : i32
    %mul3A_0 = arith.muli %arg1, %mul3A : i32
    %add3A = arith.addi %mul3A_0, %arg0 : i32
    %mul3A_1 = arith.constant 4096 : i32
    %mul3A_2 = arith.muli %add3A, %mul3A_1 : i32
    %scan3A = arith.constant 0 : i32
    %scan3A_3 = arith.constant 0 : i32
    %scan3A_4 = arith.constant 2 : i32
    %scan3A_5 = arith.addi %scan3A_3, %scan3A_4 : i32
    %scan3A_6 = arith.constant 1 : i32
    scf.for %scan3A_8 = %scan3A_3 to %scan3A_5 step %scan3A_6  : i32 {
      %mul3A_9 = arith.constant 2048 : i32
      %mul3A_10 = arith.muli %scan3A_8, %mul3A_9 : i32
      %add3A_11 = arith.addi %mul3A_2, %mul3A_10 : i32
      "tpu.region"() ({
        %run_scoped3A = tpu.sem_alloc : memref<!tpu.dma_semaphore, #tpu.memory_space<semaphore_mem>>
        %dma_start3A_16 = tpu.memref_slice %arg3[%add3A_11] : memref<131072xi32, #tpu.memory_space<hbm>> -> memref<2048xi32, #tpu.memory_space<hbm>>
        %dma_start3A_17 = tpu.memref_slice %arg3[%add3A_11] : memref<131072xi32, #tpu.memory_space<hbm>> -> memref<2048xi32, #tpu.memory_space<hbm>>
        tpu.enqueue_dma source(%dma_start3A_17 : memref<2048xi32, #tpu.memory_space<hbm>>) target(%arg5 : memref<2048xi32, #tpu.memory_space<vmem>>) target_semaphore(%run_scoped3A : memref<!tpu.dma_semaphore, #tpu.memory_space<semaphore_mem>>)
        %dma_wait3A_18 = tpu.memref_slice %arg3[%add3A_11] : memref<131072xi32, #tpu.memory_space<hbm>> -> memref<2048xi32, #tpu.memory_space<hbm>>
        %dma_wait3A_19 = tpu.memref_slice %arg3[%add3A_11] : memref<131072xi32, #tpu.memory_space<hbm>> -> memref<2048xi32, #tpu.memory_space<hbm>>
        tpu.wait_dma2 semaphore(%run_scoped3A : memref<!tpu.dma_semaphore, #tpu.memory_space<semaphore_mem>>) src(%dma_wait3A_19 : memref<2048xi32, #tpu.memory_space<hbm>>) dst(%arg5 : memref<2048xi32, #tpu.memory_space<vmem>>)
        tpu.yield
      }) : () -> ()
      %dma_start3A = arith.constant 0 : i32
      %dma_start3A_12 = arith.constant 0 : i32
      %dma_start3A_13 = tpu.memref_slice %arg2[%dma_start3A, %dma_start3A_12] : memref<32768x32xf32, #tpu.memory_space<hbm>> -> memref<32768x32xf32, #tpu.memory_space<hbm>>
      tpu.enqueue_indirect_dma source(%dma_start3A_13 : memref<32768x32xf32, #tpu.memory_space<hbm>>) target(%arg6 : memref<2048x32xf32, #tpu.memory_space<vmem>>) offsets(%arg5 : memref<2048xi32, #tpu.memory_space<vmem>>) semaphore(%arg7 : memref<!tpu.dma_semaphore, #tpu.memory_space<semaphore_mem>>)
      %dma_wait3A = arith.constant 0 : i32
      %dma_wait3A_14 = arith.constant 0 : i32
      %dma_wait3A_15 = tpu.memref_slice %arg2[%dma_wait3A, %dma_wait3A_14] : memref<32768x32xf32, #tpu.memory_space<hbm>> -> memref<32768x32xf32, #tpu.memory_space<hbm>>
      tpu.wait_indirect_dma semaphore(%arg7 : memref<!tpu.dma_semaphore, #tpu.memory_space<semaphore_mem>>) src(%dma_wait3A_15 : memref<32768x32xf32, #tpu.memory_space<hbm>>) dst(%arg6 : memref<2048x32xf32, #tpu.memory_space<vmem>>)
      "tpu.region"() ({
        %run_scoped3A = tpu.sem_alloc : memref<!tpu.dma_semaphore, #tpu.memory_space<semaphore_mem>>
        %dma_start3A_16 = arith.constant 0 : i32
        %dma_start3A_17 = tpu.memref_slice %arg4[%add3A_11, %dma_start3A_16] : memref<131072x32xf32, #tpu.memory_space<hbm>> -> memref<2048x32xf32, #tpu.memory_space<hbm>>
        %dma_start3A_18 = arith.constant 0 : i32
        %dma_start3A_19 = tpu.memref_slice %arg4[%add3A_11, %dma_start3A_18] : memref<131072x32xf32, #tpu.memory_space<hbm>> -> memref<2048x32xf32, #tpu.memory_space<hbm>>
        tpu.enqueue_dma source(%arg6 : memref<2048x32xf32, #tpu.memory_space<vmem>>) target(%dma_start3A_19 : memref<2048x32xf32, #tpu.memory_space<hbm>>) target_semaphore(%run_scoped3A : memref<!tpu.dma_semaphore, #tpu.memory_space<semaphore_mem>>)
        %dma_wait3A_20 = arith.constant 0 : i32
        %dma_wait3A_21 = tpu.memref_slice %arg4[%add3A_11, %dma_wait3A_20] : memref<131072x32xf32, #tpu.memory_space<hbm>> -> memref<2048x32xf32, #tpu.memory_space<hbm>>
        %dma_wait3A_22 = arith.constant 0 : i32
        %dma_wait3A_23 = tpu.memref_slice %arg4[%add3A_11, %dma_wait3A_22] : memref<131072x32xf32, #tpu.memory_space<hbm>> -> memref<2048x32xf32, #tpu.memory_space<hbm>>
        tpu.wait_dma2 semaphore(%run_scoped3A : memref<!tpu.dma_semaphore, #tpu.memory_space<semaphore_mem>>) src(%arg6 : memref<2048x32xf32, #tpu.memory_space<vmem>>) dst(%dma_wait3A_23 : memref<2048x32xf32, #tpu.memory_space<hbm>>)
        tpu.yield
      }) : () -> ()
    }
    %scan3A_7 = arith.constant 2 : i32
    return
  }
}

#map = affine_map<(d0, d1) -> (0, 0)>
#map1 = affine_map<(d0, d1) -> (0)>
module attributes {stable_mosaic.version = 14 : i64} {
  func.func @k(%arg0: i32, %arg1: i32, %arg2: memref<32768x32xf32, #tpu.memory_space<hbm>>, %arg3: memref<4096xi32, #tpu.memory_space<hbm>>, %arg4: memref<4096x32xf32, #tpu.memory_space<hbm>>, %arg5: memref<128xi32, #tpu.memory_space<vmem>>, %arg6: memref<128x32xf32, #tpu.memory_space<vmem>>, %arg7: memref<!tpu.dma_semaphore, #tpu.memory_space<semaphore_mem>>) attributes {dimension_semantics = [#tpu.dimension_semantics<core_parallel>, #tpu.dimension_semantics<subcore_parallel>], iteration_bounds = array<i64: 2, 16>, scalar_prefetch = 0 : i64, scratch_operands = 3 : i64, tpu.core_type = #tpu.core_type<sc_vector_subcore>, window_params = [{transform_indices = #map}, {transform_indices = #map1}, {transform_indices = #map}]} {
    %mul3A = arith.constant 2 : i32
    %mul3A_0 = arith.muli %arg1, %mul3A : i32
    %add3A = arith.addi %mul3A_0, %arg0 : i32
    %mul3A_1 = arith.constant 128 : i32
    %mul3A_2 = arith.muli %add3A, %mul3A_1 : i32
    %scan3A = arith.constant 0 : i32
    %scan3A_3 = arith.constant 0 : i32
    %mul3A_4 = arith.constant 128 : i32
    %mul3A_5 = arith.muli %scan3A_3, %mul3A_4 : i32
    %add3A_6 = arith.addi %mul3A_2, %mul3A_5 : i32
    "tpu.region"() ({
      %run_scoped3A = tpu.sem_alloc : memref<!tpu.dma_semaphore, #tpu.memory_space<semaphore_mem>>
      %dma_start3A_12 = tpu.memref_slice %arg3[%add3A_6] : memref<4096xi32, #tpu.memory_space<hbm>> -> memref<128xi32, #tpu.memory_space<hbm>>
      %dma_start3A_13 = tpu.memref_slice %arg3[%add3A_6] : memref<4096xi32, #tpu.memory_space<hbm>> -> memref<128xi32, #tpu.memory_space<hbm>>
      tpu.enqueue_dma source(%dma_start3A_13 : memref<128xi32, #tpu.memory_space<hbm>>) target(%arg5 : memref<128xi32, #tpu.memory_space<vmem>>) target_semaphore(%run_scoped3A : memref<!tpu.dma_semaphore, #tpu.memory_space<semaphore_mem>>)
      %dma_wait3A_14 = tpu.memref_slice %arg3[%add3A_6] : memref<4096xi32, #tpu.memory_space<hbm>> -> memref<128xi32, #tpu.memory_space<hbm>>
      %dma_wait3A_15 = tpu.memref_slice %arg3[%add3A_6] : memref<4096xi32, #tpu.memory_space<hbm>> -> memref<128xi32, #tpu.memory_space<hbm>>
      tpu.wait_dma2 semaphore(%run_scoped3A : memref<!tpu.dma_semaphore, #tpu.memory_space<semaphore_mem>>) src(%dma_wait3A_15 : memref<128xi32, #tpu.memory_space<hbm>>) dst(%arg5 : memref<128xi32, #tpu.memory_space<vmem>>)
      tpu.yield
    }) : () -> ()
    %dma_start3A = arith.constant 0 : i32
    %dma_start3A_7 = arith.constant 0 : i32
    %dma_start3A_8 = tpu.memref_slice %arg2[%dma_start3A, %dma_start3A_7] : memref<32768x32xf32, #tpu.memory_space<hbm>> -> memref<32768x32xf32, #tpu.memory_space<hbm>>
    tpu.enqueue_indirect_dma source(%dma_start3A_8 : memref<32768x32xf32, #tpu.memory_space<hbm>>) target(%arg6 : memref<128x32xf32, #tpu.memory_space<vmem>>) offsets(%arg5 : memref<128xi32, #tpu.memory_space<vmem>>) semaphore(%arg7 : memref<!tpu.dma_semaphore, #tpu.memory_space<semaphore_mem>>)
    %dma_wait3A = arith.constant 0 : i32
    %dma_wait3A_9 = arith.constant 0 : i32
    %dma_wait3A_10 = tpu.memref_slice %arg2[%dma_wait3A, %dma_wait3A_9] : memref<32768x32xf32, #tpu.memory_space<hbm>> -> memref<32768x32xf32, #tpu.memory_space<hbm>>
    tpu.wait_indirect_dma semaphore(%arg7 : memref<!tpu.dma_semaphore, #tpu.memory_space<semaphore_mem>>) src(%dma_wait3A_10 : memref<32768x32xf32, #tpu.memory_space<hbm>>) dst(%arg6 : memref<128x32xf32, #tpu.memory_space<vmem>>)
    "tpu.region"() ({
      %run_scoped3A = tpu.sem_alloc : memref<!tpu.dma_semaphore, #tpu.memory_space<semaphore_mem>>
      %dma_start3A_12 = arith.constant 0 : i32
      %dma_start3A_13 = tpu.memref_slice %arg4[%add3A_6, %dma_start3A_12] : memref<4096x32xf32, #tpu.memory_space<hbm>> -> memref<128x32xf32, #tpu.memory_space<hbm>>
      %dma_start3A_14 = arith.constant 0 : i32
      %dma_start3A_15 = tpu.memref_slice %arg4[%add3A_6, %dma_start3A_14] : memref<4096x32xf32, #tpu.memory_space<hbm>> -> memref<128x32xf32, #tpu.memory_space<hbm>>
      tpu.enqueue_dma source(%arg6 : memref<128x32xf32, #tpu.memory_space<vmem>>) target(%dma_start3A_15 : memref<128x32xf32, #tpu.memory_space<hbm>>) target_semaphore(%run_scoped3A : memref<!tpu.dma_semaphore, #tpu.memory_space<semaphore_mem>>)
      %dma_wait3A_16 = arith.constant 0 : i32
      %dma_wait3A_17 = tpu.memref_slice %arg4[%add3A_6, %dma_wait3A_16] : memref<4096x32xf32, #tpu.memory_space<hbm>> -> memref<128x32xf32, #tpu.memory_space<hbm>>
      %dma_wait3A_18 = arith.constant 0 : i32
      %dma_wait3A_19 = tpu.memref_slice %arg4[%add3A_6, %dma_wait3A_18] : memref<4096x32xf32, #tpu.memory_space<hbm>> -> memref<128x32xf32, #tpu.memory_space<hbm>>
      tpu.wait_dma2 semaphore(%run_scoped3A : memref<!tpu.dma_semaphore, #tpu.memory_space<semaphore_mem>>) src(%arg6 : memref<128x32xf32, #tpu.memory_space<vmem>>) dst(%dma_wait3A_19 : memref<128x32xf32, #tpu.memory_space<hbm>>)
      tpu.yield
    }) : () -> ()
    %scan3A_11 = arith.constant 1 : i32
    return
  }
}

module attributes {stable_mosaic.version = 14 : i64} {
  func.func @_knn_kernel(%arg0: i32, %arg1: memref<1x3x4096xf32, #tpu.memory_space<vmem>>, %arg2: memref<1x512x3xf32, #tpu.memory_space<vmem>>, %arg3: memref<1x512x32xi32, #tpu.memory_space<vmem>>) attributes {dimension_semantics = [#tpu.dimension_semantics<arbitrary>], iteration_bounds = array<i64: 8>, scalar_prefetch = 0 : i64, scratch_operands = 0 : i64, tpu.core_type = #tpu.core_type<tc>, window_params = [{transform_indices = @transform_0, window_bounds = array<i64: 1, 3, 4096>}, {transform_indices = @transform_1, window_bounds = array<i64: 1, 512, 3>}, {transform_indices = @transform_2, window_bounds = array<i64: 1, 512, 32>}]} {
    %get3A = arith.constant 0 : index
    %get3A_0 = arith.constant 0 : index
    %get3A_1 = arith.constant 0 : index
    %get3A_2 = vector.load %arg1[%get3A, %get3A_0, %get3A_1] : memref<1x3x4096xf32, #tpu.memory_space<vmem>>, vector<1x3x4096xf32>
    %get3A_3 = vector.shape_cast %get3A_2 : vector<1x3x4096xf32> to vector<3x4096xf32>
    %slice3A = vector.extract_strided_slice %get3A_3 {offsets = [0, 0], sizes = [1, 4096], strides = [1, 1]} : vector<3x4096xf32> to vector<1x4096xf32>
    %slice3A_4 = vector.extract_strided_slice %get3A_3 {offsets = [1, 0], sizes = [1, 4096], strides = [1, 1]} : vector<3x4096xf32> to vector<1x4096xf32>
    %slice3A_5 = vector.extract_strided_slice %get3A_3 {offsets = [2, 0], sizes = [1, 4096], strides = [1, 1]} : vector<3x4096xf32> to vector<1x4096xf32>
    %get3A_6 = arith.constant 0 : index
    %get3A_7 = arith.constant 0 : index
    %get3A_8 = arith.constant 0 : index
    %get3A_9 = vector.load %arg2[%get3A_6, %get3A_7, %get3A_8] : memref<1x512x3xf32, #tpu.memory_space<vmem>>, vector<1x512x3xf32>
    %get3A_10 = vector.shape_cast %get3A_9 : vector<1x512x3xf32> to vector<512x3xf32>
    %mul3A = arith.mulf %get3A_10, %get3A_10 : vector<512x3xf32>
    %reduce_sum3A = arith.constant dense<0.000000e+00> : vector<512xf32>
    %reduce_sum3A_11 = vector.multi_reduction <add>, %mul3A, %reduce_sum3A [1] : vector<512x3xf32> to vector<512xf32>
    %broadcast_in_dim3A = vector.shape_cast %reduce_sum3A_11 : vector<512xf32> to vector<512x1xf32>
    %mul3A_12 = arith.mulf %slice3A, %slice3A : vector<1x4096xf32>
    %mul3A_13 = arith.mulf %slice3A_4, %slice3A_4 : vector<1x4096xf32>
    %add3A = arith.addf %mul3A_12, %mul3A_13 : vector<1x4096xf32>
    %mul3A_14 = arith.mulf %slice3A_5, %slice3A_5 : vector<1x4096xf32>
    %add3A_15 = arith.addf %add3A, %mul3A_14 : vector<1x4096xf32>
    %dot_general3A = arith.constant dense<0.000000e+00> : vector<512x4096xf32>
    %dot_general3A_16 = tpu.matmul %get3A_10, %get3A_3, %dot_general3A {dimension_numbers = #tpu.dot_dimension_numbers<[1], [0], [0], [1], [0, 0, 1, 1], [], []>, transpose_lhs_hint = false} : vector<512x3xf32>, vector<3x4096xf32>, vector<512x4096xf32> -> vector<512x4096xf32>
    %add3A_17 = vector.broadcast %broadcast_in_dim3A : vector<512x1xf32> to vector<512x4096xf32>
    %add3A_18 = vector.broadcast %add3A_15 : vector<1x4096xf32> to vector<512x4096xf32>
    %add3A_19 = arith.addf %add3A_17, %add3A_18 : vector<512x4096xf32>
    %mul3A_20 = arith.constant 2.000000e+00 : f32
    %mul3A_21 = vector.broadcast %mul3A_20 : f32 to vector<512x4096xf32>
    %mul3A_22 = arith.mulf %mul3A_21, %dot_general3A_16 : vector<512x4096xf32>
    %sub3A = arith.subf %add3A_19, %mul3A_22 : vector<512x4096xf32>
    %iota3A = tpu.iota {dimensions = array<i32: 1>} : vector<512x4096xi32>
    %iota3A_23 = tpu.iota {dimensions = array<i32: 1>} : vector<512x32xi32>
    %slice3A_24 = vector.extract_strided_slice %sub3A {offsets = [0, 0], sizes = [512, 32], strides = [1, 1]} : vector<512x4096xf32> to vector<512x32xf32>
    %mul3A_25 = arith.constant 0.000000e+00 : f32
    %mul3A_26 = vector.broadcast %mul3A_25 : f32 to vector<512x32xf32>
    %mul3A_27 = arith.mulf %slice3A_24, %mul3A_26 : vector<512x32xf32>
    %convert_element_type3A = arith.fptosi %mul3A_27 : vector<512x32xf32> to vector<512x32xi32>
    %scan3A = arith.constant 0 : i32
    %scan3A_28 = arith.constant 32 : i32
    %scan3A_29 = arith.addi %scan3A, %scan3A_28 : i32
    %scan3A_30 = arith.constant 1 : i32
    %scan3A_31:2 = scf.for %scan3A_42 = %scan3A to %scan3A_29 step %scan3A_30 iter_args(%scan3A_43 = %sub3A, %scan3A_44 = %convert_element_type3A) -> (vector<512x4096xf32>, vector<512x32xi32>)  : i32 {
      %reduce_min3A = arith.constant dense<0x7F800000> : vector<512xf32>
      %reduce_min3A_45 = vector.multi_reduction <minimumf>, %scan3A_43, %reduce_min3A [1] : vector<512x4096xf32> to vector<512xf32>
      %broadcast_in_dim3A_46 = vector.shape_cast %reduce_min3A_45 : vector<512xf32> to vector<512x1xf32>
      %eq3A = vector.broadcast %broadcast_in_dim3A_46 : vector<512x1xf32> to vector<512x4096xf32>
      %eq3A_47 = arith.cmpf oeq, %scan3A_43, %eq3A : vector<512x4096xf32>
      %jit3A = arith.constant 4096 : i32
      %broadcast_in_dim3A_48 = vector.broadcast %jit3A : i32 to vector<512x4096xi32>
      %select_n3A = arith.select %eq3A_47, %iota3A, %broadcast_in_dim3A_48 : vector<512x4096xi1>, vector<512x4096xi32>
      %reduce_min3A_49 = arith.constant dense<2147483647> : vector<512xi32>
      %reduce_min3A_50 = vector.multi_reduction <minsi>, %select_n3A, %reduce_min3A_49 [1] : vector<512x4096xi32> to vector<512xi32>
      %broadcast_in_dim3A_51 = vector.shape_cast %reduce_min3A_50 : vector<512xi32> to vector<512x1xi32>
      %eq3A_52 = vector.broadcast %scan3A_42 : i32 to vector<512x32xi32>
      %eq3A_53 = arith.cmpi eq, %iota3A_23, %eq3A_52 : vector<512x32xi32>
      %broadcast_in_dim3A_54 = vector.shape_cast %broadcast_in_dim3A_51 : vector<512x1xi32> to vector<512x1xi32>
      %broadcast_in_dim3A_55 = vector.broadcast %broadcast_in_dim3A_54 : vector<512x1xi32> to vector<512x32xi32>
      %select_n3A_56 = arith.select %eq3A_53, %broadcast_in_dim3A_55, %scan3A_44 : vector<512x32xi1>, vector<512x32xi32>
      %eq3A_57 = vector.broadcast %broadcast_in_dim3A_51 : vector<512x1xi32> to vector<512x4096xi32>
      %eq3A_58 = arith.cmpi eq, %iota3A, %eq3A_57 : vector<512x4096xi32>
      %and3A = arith.andi %eq3A_47, %eq3A_58 : vector<512x4096xi1>
      %jit3A_59 = arith.constant 1.000000e+30 : f32
      %broadcast_in_dim3A_60 = vector.broadcast %jit3A_59 : f32 to vector<512x4096xf32>
      %select_n3A_61 = arith.select %and3A, %broadcast_in_dim3A_60, %scan3A_43 : vector<512x4096xi1>, vector<512x4096xf32>
      scf.yield %select_n3A_61, %select_n3A_56 : vector<512x4096xf32>, vector<512x32xi32>
    }
    %scan3A_32 = arith.constant 32 : i32
    %mul3A_33 = arith.constant 4096 : i32
    %mul3A_34 = arith.muli %mul3A_33, %arg0 : i32
    %add3A_35 = vector.broadcast %mul3A_34 : i32 to vector<512x32xi32>
    %add3A_36 = arith.addi %scan3A_31#1, %add3A_35 : vector<512x32xi32>
    %swap3A = arith.constant 0 : index
    %swap3A_37 = arith.constant 0 : index
    %swap3A_38 = arith.constant 0 : index
    %swap3A_39 = vector.load %arg3[%swap3A, %swap3A_37, %swap3A_38] : memref<1x512x32xi32, #tpu.memory_space<vmem>>, vector<1x512x32xi32>
    %swap3A_40 = vector.shape_cast %swap3A_39 : vector<1x512x32xi32> to vector<512x32xi32>
    %swap3A_41 = vector.shape_cast %add3A_36 : vector<512x32xi32> to vector<1x512x32xi32>
    tpu.vector_store %arg3[%swap3A, %swap3A_37, %swap3A_38], %swap3A_41 {strides = array<i32>} : memref<1x512x32xi32, #tpu.memory_space<vmem>>, vector<1x512x32xi32>,
    return
  }
  func.func @transform_0(%arg0: i32) -> (i32, i32, i32) {
    %c0_i32 = arith.constant 0 : i32
    %c0_i32_0 = arith.constant 0 : i32
    %c0_i32_1 = arith.constant 0 : i32
    return %arg0, %c0_i32, %c0_i32_0 : i32, i32, i32
  }
  func.func @transform_1(%arg0: i32) -> (i32, i32, i32) {
    %c0_i32 = arith.constant 0 : i32
    %c0_i32_0 = arith.constant 0 : i32
    %c0_i32_1 = arith.constant 0 : i32
    return %arg0, %c0_i32, %c0_i32_0 : i32, i32, i32
  }
  func.func @transform_2(%arg0: i32) -> (i32, i32, i32) {
    %c0_i32 = arith.constant 0 : i32
    %c0_i32_0 = arith.constant 0 : i32
    %c0_i32_1 = arith.constant 0 : i32
    return %arg0, %c0_i32, %c0_i32_0 : i32, i32, i32
  }
}

module attributes {stable_mosaic.version = 14 : i64} {
  func.func @_fps_kernel(%arg0: memref<3x8x4096xf32, #tpu.memory_space<vmem>>, %arg1: memref<8x512xi32, #tpu.memory_space<vmem>>, %arg2: memref<3x8x512xf32, #tpu.memory_space<vmem>>) attributes {dimension_semantics = [], scalar_prefetch = 0 : i64, scratch_operands = 0 : i64, tpu.core_type = #tpu.core_type<tc>} {
    %get3A = arith.constant 0 : index
    %get3A_0 = arith.constant 0 : index
    %get3A_1 = arith.constant 0 : index
    %get3A_2 = vector.load %arg0[%get3A, %get3A_0, %get3A_1] : memref<3x8x4096xf32, #tpu.memory_space<vmem>>, vector<1x8x4096xf32>
    %get3A_3 = vector.shape_cast %get3A_2 : vector<1x8x4096xf32> to vector<8x4096xf32>
    %get3A_4 = arith.constant 1 : index
    %get3A_5 = arith.constant 0 : index
    %get3A_6 = arith.constant 0 : index
    %get3A_7 = vector.load %arg0[%get3A_4, %get3A_5, %get3A_6] : memref<3x8x4096xf32, #tpu.memory_space<vmem>>, vector<1x8x4096xf32>
    %get3A_8 = vector.shape_cast %get3A_7 : vector<1x8x4096xf32> to vector<8x4096xf32>
    %get3A_9 = arith.constant 2 : index
    %get3A_10 = arith.constant 0 : index
    %get3A_11 = arith.constant 0 : index
    %get3A_12 = vector.load %arg0[%get3A_9, %get3A_10, %get3A_11] : memref<3x8x4096xf32, #tpu.memory_space<vmem>>, vector<1x8x4096xf32>
    %get3A_13 = vector.shape_cast %get3A_12 : vector<1x8x4096xf32> to vector<8x4096xf32>
    %iota3A = tpu.iota {dimensions = array<i32: 1>} : vector<8x4096xi32>
    %iota3A_14 = tpu.iota {dimensions = array<i32: 1>} : vector<8x512xi32>
    %mul3A = arith.constant 0.000000e+00 : f32
    %mul3A_15 = vector.broadcast %mul3A : f32 to vector<8x4096xf32>
    %mul3A_16 = arith.mulf %get3A_3, %mul3A_15 : vector<8x4096xf32>
    %add3A = arith.constant 1.000000e+10 : f32
    %add3A_17 = vector.broadcast %add3A : f32 to vector<8x4096xf32>
    %add3A_18 = arith.addf %mul3A_16, %add3A_17 : vector<8x4096xf32>
    %slice3A = vector.extract_strided_slice %get3A_3 {offsets = [0, 0], sizes = [8, 1], strides = [1, 1]} : vector<8x4096xf32> to vector<8x1xf32>
    %mul3A_19 = arith.constant 0.000000e+00 : f32
    %mul3A_20 = vector.broadcast %mul3A_19 : f32 to vector<8x1xf32>
    %mul3A_21 = arith.mulf %slice3A, %mul3A_20 : vector<8x1xf32>
    %convert_element_type3A = arith.fptosi %mul3A_21 : vector<8x1xf32> to vector<8x1xi32>
    %slice3A_22 = vector.extract_strided_slice %get3A_3 {offsets = [0, 0], sizes = [8, 512], strides = [1, 1]} : vector<8x4096xf32> to vector<8x512xf32>
    %mul3A_23 = arith.constant 0.000000e+00 : f32
    %mul3A_24 = vector.broadcast %mul3A_23 : f32 to vector<8x512xf32>
    %mul3A_25 = arith.mulf %slice3A_22, %mul3A_24 : vector<8x512xf32>
    %convert_element_type3A_26 = arith.fptosi %mul3A_25 : vector<8x512xf32> to vector<8x512xi32>
    %add3A_27 = arith.constant 0.000000e+00 : f32
    %add3A_28 = vector.broadcast %add3A_27 : f32 to vector<8x512xf32>
    %add3A_29 = arith.addf %mul3A_25, %add3A_28 : vector<8x512xf32>
    %add3A_30 = arith.constant 0.000000e+00 : f32
    %add3A_31 = vector.broadcast %add3A_30 : f32 to vector<8x512xf32>
    %add3A_32 = arith.addf %mul3A_25, %add3A_31 : vector<8x512xf32>
    %scan3A = arith.constant 0 : i32
    %scan3A_33 = arith.constant 512 : i32
    %scan3A_34 = arith.addi %scan3A, %scan3A_33 : i32
    %scan3A_35 = arith.constant 1 : i32
    %scan3A_36:6 = scf.for %scan3A_63 = %scan3A to %scan3A_34 step %scan3A_35 iter_args(%scan3A_64 = %add3A_18, %scan3A_65 = %convert_element_type3A, %scan3A_66 = %convert_element_type3A_26, %scan3A_67 = %mul3A_25, %scan3A_68 = %add3A_29, %scan3A_69 = %add3A_32) -> (vector<8x4096xf32>, vector<8x1xi32>, vector<8x512xi32>, vector<8x512xf32>, vector<8x512xf32>, vector<8x512xf32>)  : i32 {
      %eq3A = vector.broadcast %scan3A_65 : vector<8x1xi32> to vector<8x4096xi32>
      %eq3A_70 = arith.cmpi eq, %iota3A, %eq3A : vector<8x4096xi32>
      %jit3A = arith.constant 0.000000e+00 : f32
      %broadcast_in_dim3A = vector.broadcast %jit3A : f32 to vector<8x4096xf32>
      %select_n3A = arith.select %eq3A_70, %get3A_3, %broadcast_in_dim3A : vector<8x4096xi1>, vector<8x4096xf32>
      %reduce_sum3A = arith.constant dense<0.000000e+00> : vector<8xf32>
      %reduce_sum3A_71 = vector.multi_reduction <add>, %select_n3A, %reduce_sum3A [1] : vector<8x4096xf32> to vector<8xf32>
      %broadcast_in_dim3A_72 = vector.shape_cast %reduce_sum3A_71 : vector<8xf32> to vector<8x1xf32>
      %jit3A_73 = arith.constant 0.000000e+00 : f32
      %broadcast_in_dim3A_74 = vector.broadcast %jit3A_73 : f32 to vector<8x4096xf32>
      %select_n3A_75 = arith.select %eq3A_70, %get3A_8, %broadcast_in_dim3A_74 : vector<8x4096xi1>, vector<8x4096xf32>
      %reduce_sum3A_76 = arith.constant dense<0.000000e+00> : vector<8xf32>
      %reduce_sum3A_77 = vector.multi_reduction <add>, %select_n3A_75, %reduce_sum3A_76 [1] : vector<8x4096xf32> to vector<8xf32>
      %broadcast_in_dim3A_78 = vector.shape_cast %reduce_sum3A_77 : vector<8xf32> to vector<8x1xf32>
      %jit3A_79 = arith.constant 0.000000e+00 : f32
      %broadcast_in_dim3A_80 = vector.broadcast %jit3A_79 : f32 to vector<8x4096xf32>
      %select_n3A_81 = arith.select %eq3A_70, %get3A_13, %broadcast_in_dim3A_80 : vector<8x4096xi1>, vector<8x4096xf32>
      %reduce_sum3A_82 = arith.constant dense<0.000000e+00> : vector<8xf32>
      %reduce_sum3A_83 = vector.multi_reduction <add>, %select_n3A_81, %reduce_sum3A_82 [1] : vector<8x4096xf32> to vector<8xf32>
      %broadcast_in_dim3A_84 = vector.shape_cast %reduce_sum3A_83 : vector<8xf32> to vector<8x1xf32>
      %eq3A_85 = vector.broadcast %scan3A_63 : i32 to vector<8x512xi32>
      %eq3A_86 = arith.cmpi eq, %iota3A_14, %eq3A_85 : vector<8x512xi32>
      %broadcast_in_dim3A_87 = vector.shape_cast %scan3A_65 : vector<8x1xi32> to vector<8x1xi32>
      %broadcast_in_dim3A_88 = vector.broadcast %broadcast_in_dim3A_87 : vector<8x1xi32> to vector<8x512xi32>
      %select_n3A_89 = arith.select %eq3A_86, %broadcast_in_dim3A_88, %scan3A_66 : vector<8x512xi1>, vector<8x512xi32>
      %broadcast_in_dim3A_90 = vector.shape_cast %broadcast_in_dim3A_72 : vector<8x1xf32> to vector<8x1xf32>
      %broadcast_in_dim3A_91 = vector.broadcast %broadcast_in_dim3A_90 : vector<8x1xf32> to vector<8x512xf32>
      %select_n3A_92 = arith.select %eq3A_86, %broadcast_in_dim3A_91, %scan3A_67 : vector<8x512xi1>, vector<8x512xf32>
      %broadcast_in_dim3A_93 = vector.shape_cast %broadcast_in_dim3A_78 : vector<8x1xf32> to vector<8x1xf32>
      %broadcast_in_dim3A_94 = vector.broadcast %broadcast_in_dim3A_93 : vector<8x1xf32> to vector<8x512xf32>
      %select_n3A_95 = arith.select %eq3A_86, %broadcast_in_dim3A_94, %scan3A_68 : vector<8x512xi1>, vector<8x512xf32>
      %broadcast_in_dim3A_96 = vector.shape_cast %broadcast_in_dim3A_84 : vector<8x1xf32> to vector<8x1xf32>
      %broadcast_in_dim3A_97 = vector.broadcast %broadcast_in_dim3A_96 : vector<8x1xf32> to vector<8x512xf32>
      %select_n3A_98 = arith.select %eq3A_86, %broadcast_in_dim3A_97, %scan3A_69 : vector<8x512xi1>, vector<8x512xf32>
      %sub3A = vector.broadcast %broadcast_in_dim3A_72 : vector<8x1xf32> to vector<8x4096xf32>
      %sub3A_99 = arith.subf %get3A_3, %sub3A : vector<8x4096xf32>
      %integer_pow3A = arith.mulf %sub3A_99, %sub3A_99 : vector<8x4096xf32>
      %sub3A_100 = vector.broadcast %broadcast_in_dim3A_78 : vector<8x1xf32> to vector<8x4096xf32>
      %sub3A_101 = arith.subf %get3A_8, %sub3A_100 : vector<8x4096xf32>
      %integer_pow3A_102 = arith.mulf %sub3A_101, %sub3A_101 : vector<8x4096xf32>
      %add3A_103 = arith.addf %integer_pow3A, %integer_pow3A_102 : vector<8x4096xf32>
      %sub3A_104 = vector.broadcast %broadcast_in_dim3A_84 : vector<8x1xf32> to vector<8x4096xf32>
      %sub3A_105 = arith.subf %get3A_13, %sub3A_104 : vector<8x4096xf32>
      %integer_pow3A_106 = arith.mulf %sub3A_105, %sub3A_105 : vector<8x4096xf32>
      %add3A_107 = arith.addf %add3A_103, %integer_pow3A_106 : vector<8x4096xf32>
      %min3A = arith.minimumf %scan3A_64, %add3A_107 : vector<8x4096xf32>
      %reduce_max3A = arith.constant dense<0xFF800000> : vector<8xf32>
      %reduce_max3A_108 = vector.multi_reduction <maximumf>, %min3A, %reduce_max3A [1] : vector<8x4096xf32> to vector<8xf32>
      %broadcast_in_dim3A_109 = vector.shape_cast %reduce_max3A_108 : vector<8xf32> to vector<8x1xf32>
      %eq3A_110 = vector.broadcast %broadcast_in_dim3A_109 : vector<8x1xf32> to vector<8x4096xf32>
      %eq3A_111 = arith.cmpf oeq, %min3A, %eq3A_110 : vector<8x4096xf32>
      %jit3A_112 = arith.constant 4096 : i32
      %broadcast_in_dim3A_113 = vector.broadcast %jit3A_112 : i32 to vector<8x4096xi32>
      %select_n3A_114 = arith.select %eq3A_111, %iota3A, %broadcast_in_dim3A_113 : vector<8x4096xi1>, vector<8x4096xi32>
      %reduce_min3A = arith.constant dense<2147483647> : vector<8xi32>
      %reduce_min3A_115 = vector.multi_reduction <minsi>, %select_n3A_114, %reduce_min3A [1] : vector<8x4096xi32> to vector<8xi32>
      %broadcast_in_dim3A_116 = vector.shape_cast %reduce_min3A_115 : vector<8xi32> to vector<8x1xi32>
      scf.yield %min3A, %broadcast_in_dim3A_116, %select_n3A_89, %select_n3A_92, %select_n3A_95, %select_n3A_98 : vector<8x4096xf32>, vector<8x1xi32>, vector<8x512xi32>, vector<8x512xf32>, vector<8x512xf32>, vector<8x512xf32>
    }
    %scan3A_37 = arith.constant 512 : i32
    %iota3A_38 = tpu.iota {dimensions = array<i32: 0>} : vector<8x512xi32>
    %mul3A_39 = arith.constant 4096 : i32
    %mul3A_40 = vector.broadcast %mul3A_39 : i32 to vector<8x512xi32>
    %mul3A_41 = arith.muli %mul3A_40, %iota3A_38 : vector<8x512xi32>
    %add3A_42 = arith.addi %scan3A_36#2, %mul3A_41 : vector<8x512xi32>
    %swap3A = arith.constant 0 : index
    %swap3A_43 = arith.constant 0 : index
    %swap3A_44 = vector.load %arg1[%swap3A, %swap3A_43] : memref<8x512xi32, #tpu.memory_space<vmem>>, vector<8x512xi32>
    tpu.vector_store %arg1[%swap3A, %swap3A_43], %add3A_42 {strides = array<i32>} : memref<8x512xi32, #tpu.memory_space<vmem>>, vector<8x512xi32>,
    %swap3A_45 = arith.constant 0 : index
    %swap3A_46 = arith.constant 0 : index
    %swap3A_47 = arith.constant 0 : index
    %swap3A_48 = vector.load %arg2[%swap3A_45, %swap3A_46, %swap3A_47] : memref<3x8x512xf32, #tpu.memory_space<vmem>>, vector<1x8x512xf32>
    %swap3A_49 = vector.shape_cast %swap3A_48 : vector<1x8x512xf32> to vector<8x512xf32>
    %swap3A_50 = vector.shape_cast %scan3A_36#3 : vector<8x512xf32> to vector<1x8x512xf32>
    tpu.vector_store %arg2[%swap3A_45, %swap3A_46, %swap3A_47], %swap3A_50 {strides = array<i32>} : memref<3x8x512xf32, #tpu.memory_space<vmem>>, vector<1x8x512xf32>,
    %swap3A_51 = arith.constant 1 : index
    %swap3A_52 = arith.constant 0 : index
    %swap3A_53 = arith.constant 0 : index
    %swap3A_54 = vector.load %arg2[%swap3A_51, %swap3A_52, %swap3A_53] : memref<3x8x512xf32, #tpu.memory_space<vmem>>, vector<1x8x512xf32>
    %swap3A_55 = vector.shape_cast %swap3A_54 : vector<1x8x512xf32> to vector<8x512xf32>
    %swap3A_56 = vector.shape_cast %scan3A_36#4 : vector<8x512xf32> to vector<1x8x512xf32>
    tpu.vector_store %arg2[%swap3A_51, %swap3A_52, %swap3A_53], %swap3A_56 {strides = array<i32>} : memref<3x8x512xf32, #tpu.memory_space<vmem>>, vector<1x8x512xf32>,
    %swap3A_57 = arith.constant 2 : index
    %swap3A_58 = arith.constant 0 : index
    %swap3A_59 = arith.constant 0 : index
    %swap3A_60 = vector.load %arg2[%swap3A_57, %swap3A_58, %swap3A_59] : memref<3x8x512xf32, #tpu.memory_space<vmem>>, vector<1x8x512xf32>
    %swap3A_61 = vector.shape_cast %swap3A_60 : vector<1x8x512xf32> to vector<8x512xf32>
    %swap3A_62 = vector.shape_cast %scan3A_36#5 : vector<8x512xf32> to vector<1x8x512xf32>
    tpu.vector_store %arg2[%swap3A_57, %swap3A_58, %swap3A_59], %swap3A_62 {strides = array<i32>} : memref<3x8x512xf32, #tpu.memory_space<vmem>>, vector<1x8x512xf32>,
    return
  }
}

module attributes {stable_mosaic.version = 14 : i64} {
  func.func @_stats_kernel(%arg0: i32, %arg1: i32, %arg2: memref<1x4096x32xf32, #tpu.memory_space<vmem>>, %arg3: memref<1x128x32xf32, #tpu.memory_space<vmem>>, %arg4: memref<8xf32, #tpu.memory_space<smem>>, %arg5: memref<8xf32, #tpu.memory_space<smem>>) attributes {dimension_semantics = [#tpu.dimension_semantics<arbitrary>, #tpu.dimension_semantics<arbitrary>], iteration_bounds = array<i64: 8, 4>, scalar_prefetch = 0 : i64, scratch_operands = 0 : i64, tpu.core_type = #tpu.core_type<tc>, window_params = [{transform_indices = @transform_0, window_bounds = array<i64: 1, 4096, 32>}, {transform_indices = @transform_1, window_bounds = array<i64: 1, 128, 32>}, {transform_indices = @transform_2, window_bounds = array<i64: 8>}, {transform_indices = @transform_3, window_bounds = array<i64: 8>}]} {
    %get3A = arith.constant 0 : index
    %get3A_0 = arith.constant 0 : index
    %get3A_1 = arith.constant 0 : index
    %get3A_2 = vector.load %arg2[%get3A, %get3A_0, %get3A_1] : memref<1x4096x32xf32, #tpu.memory_space<vmem>>, vector<1x4096x32xf32>
    %get3A_3 = vector.shape_cast %get3A_2 : vector<1x4096x32xf32> to vector<4096x32xf32>
    %get3A_4 = arith.constant 0 : index
    %get3A_5 = arith.constant 0 : index
    %get3A_6 = arith.constant 0 : index
    %get3A_7 = vector.load %arg3[%get3A_4, %get3A_5, %get3A_6] : memref<1x128x32xf32, #tpu.memory_space<vmem>>, vector<1x128x32xf32>
    %get3A_8 = vector.shape_cast %get3A_7 : vector<1x128x32xf32> to vector<128x32xf32>
    %broadcast_in_dim3A = vector.shape_cast %get3A_8 : vector<128x32xf32> to vector<128x1x32xf32>
    %broadcast_in_dim3A_9 = vector.shape_cast %broadcast_in_dim3A : vector<128x1x32xf32> to vector<128x1x32xf32>
    %broadcast_in_dim3A_10 = vector.broadcast %broadcast_in_dim3A_9 : vector<128x1x32xf32> to vector<128x32x32xf32>
    %reshape3A = vector.shape_cast %broadcast_in_dim3A_10 : vector<128x32x32xf32> to vector<4096x32xf32>
    %sub3A = arith.subf %get3A_3, %reshape3A : vector<4096x32xf32>
    %eq3A = arith.constant 0 : i32
    %eq3A_11 = arith.cmpi eq, %arg1, %eq3A : i32
    %convert_element_type3A = arith.extui %eq3A_11 : i1 to i32
    %cond3A = arith.constant 0 : i32
    %cond3A_12 = arith.cmpi ne, %convert_element_type3A, %cond3A : i32
    scf.if %cond3A_12 {
      %swap3A_30 = arith.constant 0.000000e+00 : f32
      %swap3A_31 = arith.index_cast %arg0 : i32 to index
      %swap3A_32 = memref.load %arg4[%swap3A_31] : memref<8xf32, #tpu.memory_space<smem>>
      memref.store %swap3A_30, %arg4[%swap3A_31] : memref<8xf32, #tpu.memory_space<smem>>
      %swap3A_33 = arith.constant 0.000000e+00 : f32
      %swap3A_34 = arith.index_cast %arg0 : i32 to index
      %swap3A_35 = memref.load %arg5[%swap3A_34] : memref<8xf32, #tpu.memory_space<smem>>
      memref.store %swap3A_33, %arg5[%swap3A_34] : memref<8xf32, #tpu.memory_space<smem>>
    } else {
    }
    %get3A_13 = arith.index_cast %arg0 : i32 to index
    %get3A_14 = memref.load %arg4[%get3A_13] : memref<8xf32, #tpu.memory_space<smem>>
    %reduce_sum3A = vector.shape_cast %sub3A : vector<4096x32xf32> to vector<1x4096x32xf32>
    %reduce_sum3A_15 = arith.constant dense<0.000000e+00> : vector<1xf32>
    %reduce_sum3A_16 = vector.multi_reduction <add>, %reduce_sum3A, %reduce_sum3A_15 [1, 2] : vector<1x4096x32xf32> to vector<1xf32>
    %reduce_sum3A_17 = vector.shape_cast %reduce_sum3A_16 : vector<1xf32> to vector<1x1x1xf32>
    %reduce_sum3A_18 = vector.extract %reduce_sum3A_17[0, 0, 0] : f32 from vector<1x1x1xf32>
    %add3A = arith.addf %get3A_14, %reduce_sum3A_18 : f32
    %swap3A = arith.index_cast %arg0 : i32 to index
    %swap3A_19 = memref.load %arg4[%swap3A] : memref<8xf32, #tpu.memory_space<smem>>
    memref.store %add3A, %arg4[%swap3A] : memref<8xf32, #tpu.memory_space<smem>>
    %get3A_20 = arith.index_cast %arg0 : i32 to index
    %get3A_21 = memref.load %arg5[%get3A_20] : memref<8xf32, #tpu.memory_space<smem>>
    %mul3A = arith.mulf %sub3A, %sub3A : vector<4096x32xf32>
    %reduce_sum3A_22 = vector.shape_cast %mul3A : vector<4096x32xf32> to vector<1x4096x32xf32>
    %reduce_sum3A_23 = arith.constant dense<0.000000e+00> : vector<1xf32>
    %reduce_sum3A_24 = vector.multi_reduction <add>, %reduce_sum3A_22, %reduce_sum3A_23 [1, 2] : vector<1x4096x32xf32> to vector<1xf32>
    %reduce_sum3A_25 = vector.shape_cast %reduce_sum3A_24 : vector<1xf32> to vector<1x1x1xf32>
    %reduce_sum3A_26 = vector.extract %reduce_sum3A_25[0, 0, 0] : f32 from vector<1x1x1xf32>
    %add3A_27 = arith.addf %get3A_21, %reduce_sum3A_26 : f32
    %swap3A_28 = arith.index_cast %arg0 : i32 to index
    %swap3A_29 = memref.load %arg5[%swap3A_28] : memref<8xf32, #tpu.memory_space<smem>>
    memref.store %add3A_27, %arg5[%swap3A_28] : memref<8xf32, #tpu.memory_space<smem>>
    return
  }
  func.func @transform_0(%arg0: i32, %arg1: i32) -> (i32, i32, i32) {
    %c0_i32 = arith.constant 0 : i32
    %c0_i32_0 = arith.constant 0 : i32
    return %arg0, %arg1, %c0_i32 : i32, i32, i32
  }
  func.func @transform_1(%arg0: i32, %arg1: i32) -> (i32, i32, i32) {
    %c0_i32 = arith.constant 0 : i32
    %c0_i32_0 = arith.constant 0 : i32
    return %arg0, %arg1, %c0_i32 : i32, i32, i32
  }
  func.func @transform_2(%arg0: i32, %arg1: i32) -> i32 {
    %c0_i32 = arith.constant 0 : i32
    %c0_i32_0 = arith.constant 0 : i32
    return %c0_i32 : i32
  }
  func.func @transform_3(%arg0: i32, %arg1: i32) -> i32 {
    %c0_i32 = arith.constant 0 : i32
    %c0_i32_0 = arith.constant 0 : i32
    return %c0_i32 : i32
  }
}

module attributes {stable_mosaic.version = 14 : i64} {
  func.func @_layer1_kernel(%arg0: i32, %arg1: i32, %arg2: memref<1x4096x32xf32, #tpu.memory_space<vmem>>, %arg3: memref<1x128x32xf32, #tpu.memory_space<vmem>>, %arg4: memref<8xf32, #tpu.memory_space<smem>>, %arg5: memref<64x64xf32, #tpu.memory_space<vmem>>, %arg6: memref<1x64x4096xf32, #tpu.memory_space<vmem>>, %arg7: memref<1x64xf32, #tpu.memory_space<vmem>>, %arg8: memref<1x64xf32, #tpu.memory_space<vmem>>) attributes {dimension_semantics = [#tpu.dimension_semantics<arbitrary>, #tpu.dimension_semantics<arbitrary>], iteration_bounds = array<i64: 8, 4>, scalar_prefetch = 0 : i64, scratch_operands = 0 : i64, tpu.core_type = #tpu.core_type<tc>, window_params = [{transform_indices = @transform_0, window_bounds = array<i64: 1, 4096, 32>}, {transform_indices = @transform_1, window_bounds = array<i64: 1, 128, 32>}, {transform_indices = @transform_2, window_bounds = array<i64: 8>}, {pipeline_mode = #tpu.pipeline_mode<synchronous>, transform_indices = @transform_3, window_bounds = array<i64: 64, 64>}, {transform_indices = @transform_4, window_bounds = array<i64: 1, 64, 4096>}, {pipeline_mode = #tpu.pipeline_mode<synchronous>, transform_indices = @transform_5, window_bounds = array<i64: 1, 64>}, {pipeline_mode = #tpu.pipeline_mode<synchronous>, transform_indices = @transform_6, window_bounds = array<i64: 1, 64>}]} {
    %get3A = arith.index_cast %arg0 : i32 to index
    %get3A_0 = memref.load %arg4[%get3A] : memref<8xf32, #tpu.memory_space<smem>>
    %get3A_1 = arith.constant 0 : index
    %get3A_2 = arith.constant 0 : index
    %get3A_3 = arith.constant 0 : index
    %get3A_4 = vector.load %arg3[%get3A_1, %get3A_2, %get3A_3] : memref<1x128x32xf32, #tpu.memory_space<vmem>>, vector<1x128x32xf32>
    %get3A_5 = vector.shape_cast %get3A_4 : vector<1x128x32xf32> to vector<128x32xf32>
    %broadcast_in_dim3A = vector.shape_cast %get3A_5 : vector<128x32xf32> to vector<128x1x32xf32>
    %broadcast_in_dim3A_6 = vector.shape_cast %broadcast_in_dim3A : vector<128x1x32xf32> to vector<128x1x32xf32>
    %broadcast_in_dim3A_7 = vector.broadcast %broadcast_in_dim3A_6 : vector<128x1x32xf32> to vector<128x32x32xf32>
    %reshape3A = vector.shape_cast %broadcast_in_dim3A_7 : vector<128x32x32xf32> to vector<4096x32xf32>
    %get3A_8 = arith.constant 0 : index
    %get3A_9 = arith.constant 0 : index
    %get3A_10 = arith.constant 0 : index
    %get3A_11 = vector.load %arg2[%get3A_8, %get3A_9, %get3A_10] : memref<1x4096x32xf32, #tpu.memory_space<vmem>>, vector<1x4096x32xf32>
    %get3A_12 = vector.shape_cast %get3A_11 : vector<1x4096x32xf32> to vector<4096x32xf32>
    %sub3A = arith.subf %get3A_12, %reshape3A : vector<4096x32xf32>
    %mul3A = vector.broadcast %get3A_0 : f32 to vector<4096x32xf32>
    %mul3A_13 = arith.mulf %sub3A, %mul3A : vector<4096x32xf32>
    %concatenate3A = tpu.concatenate %mul3A_13, %reshape3A in 1 : vector<4096x32xf32>, vector<4096x32xf32> -> vector<4096x64xf32>
    %get3A_14 = arith.constant 0 : index
    %get3A_15 = arith.constant 0 : index
    %get3A_16 = vector.load %arg5[%get3A_14, %get3A_15] : memref<64x64xf32, #tpu.memory_space<vmem>>, vector<64x64xf32>
    %dot_general3A = arith.constant dense<0.000000e+00> : vector<64x4096xf32>
    %dot_general3A_17 = tpu.matmul %get3A_16, %concatenate3A, %dot_general3A {dimension_numbers = #tpu.dot_dimension_numbers<[1], [1], [0], [0], [0, 0, 1, 0], [], []>, transpose_lhs_hint = false} : vector<64x64xf32>, vector<4096x64xf32>, vector<64x4096xf32> -> vector<64x4096xf32>
    %swap3A = arith.constant 0 : index
    %swap3A_18 = arith.constant 0 : index
    %swap3A_19 = arith.constant 0 : index
    %swap3A_20 = vector.load %arg6[%swap3A, %swap3A_18, %swap3A_19] : memref<1x64x4096xf32, #tpu.memory_space<vmem>>, vector<1x64x4096xf32>
    %swap3A_21 = vector.shape_cast %swap3A_20 : vector<1x64x4096xf32> to vector<64x4096xf32>
    %swap3A_22 = vector.shape_cast %dot_general3A_17 : vector<64x4096xf32> to vector<1x64x4096xf32>
    tpu.vector_store %arg6[%swap3A, %swap3A_18, %swap3A_19], %swap3A_22 {strides = array<i32>} : memref<1x64x4096xf32, #tpu.memory_space<vmem>>, vector<1x64x4096xf32>,
    %eq3A = arith.constant 0 : i32
    %eq3A_23 = arith.cmpi eq, %arg0, %eq3A : i32
    %eq3A_24 = arith.constant 0 : i32
    %eq3A_25 = arith.cmpi eq, %arg1, %eq3A_24 : i32
    %and3A = arith.andi %eq3A_23, %eq3A_25 : i1
    %convert_element_type3A = arith.extui %and3A : i1 to i32
    %cond3A = arith.constant 0 : i32
    %cond3A_26 = arith.cmpi ne, %convert_element_type3A, %cond3A : i32
    scf.if %cond3A_26 {
      %broadcast_in_dim3A_46 = arith.constant 0.000000e+00 : f32
      %broadcast_in_dim3A_47 = vector.broadcast %broadcast_in_dim3A_46 : f32 to vector<1x64xf32>
      %swap3A_48 = arith.constant 0 : index
      %swap3A_49 = arith.constant 0 : index
      %swap3A_50 = vector.load %arg7[%swap3A_48, %swap3A_49] : memref<1x64xf32, #tpu.memory_space<vmem>>, vector<1x64xf32>
      tpu.vector_store %arg7[%swap3A_48, %swap3A_49], %broadcast_in_dim3A_47 {strides = array<i32>} : memref<1x64xf32, #tpu.memory_space<vmem>>, vector<1x64xf32>,
      %broadcast_in_dim3A_51 = arith.constant 0.000000e+00 : f32
      %broadcast_in_dim3A_52 = vector.broadcast %broadcast_in_dim3A_51 : f32 to vector<1x64xf32>
      %swap3A_53 = arith.constant 0 : index
      %swap3A_54 = arith.constant 0 : index
      %swap3A_55 = vector.load %arg8[%swap3A_53, %swap3A_54] : memref<1x64xf32, #tpu.memory_space<vmem>>, vector<1x64xf32>
      tpu.vector_store %arg8[%swap3A_53, %swap3A_54], %broadcast_in_dim3A_52 {strides = array<i32>} : memref<1x64xf32, #tpu.memory_space<vmem>>, vector<1x64xf32>,
    } else {
    }
    %get3A_27 = arith.constant 0 : index
    %get3A_28 = arith.constant 0 : index
    %get3A_29 = vector.load %arg7[%get3A_27, %get3A_28] : memref<1x64xf32, #tpu.memory_space<vmem>>, vector<1x64xf32>
    %reduce_sum3A = arith.constant dense<0.000000e+00> : vector<64xf32>
    %reduce_sum3A_30 = vector.multi_reduction <add>, %dot_general3A_17, %reduce_sum3A [1] : vector<64x4096xf32> to vector<64xf32>
    %broadcast_in_dim3A_31 = vector.shape_cast %reduce_sum3A_30 : vector<64xf32> to vector<1x64xf32>
    %add3A = arith.addf %get3A_29, %broadcast_in_dim3A_31 : vector<1x64xf32>
    %swap3A_32 = arith.constant 0 : index
    %swap3A_33 = arith.constant 0 : index
    %swap3A_34 = vector.load %arg7[%swap3A_32, %swap3A_33] : memref<1x64xf32, #tpu.memory_space<vmem>>, vector<1x64xf32>
    tpu.vector_store %arg7[%swap3A_32, %swap3A_33], %add3A {strides = array<i32>} : memref<1x64xf32, #tpu.memory_space<vmem>>, vector<1x64xf32>,
    %get3A_35 = arith.constant 0 : index
    %get3A_36 = arith.constant 0 : index
    %get3A_37 = vector.load %arg8[%get3A_35, %get3A_36] : memref<1x64xf32, #tpu.memory_space<vmem>>, vector<1x64xf32>
    %mul3A_38 = arith.mulf %dot_general3A_17, %dot_general3A_17 : vector<64x4096xf32>
    %reduce_sum3A_39 = arith.constant dense<0.000000e+00> : vector<64xf32>
    %reduce_sum3A_40 = vector.multi_reduction <add>, %mul3A_38, %reduce_sum3A_39 [1] : vector<64x4096xf32> to vector<64xf32>
    %broadcast_in_dim3A_41 = vector.shape_cast %reduce_sum3A_40 : vector<64xf32> to vector<1x64xf32>
    %add3A_42 = arith.addf %get3A_37, %broadcast_in_dim3A_41 : vector<1x64xf32>
    %swap3A_43 = arith.constant 0 : index
    %swap3A_44 = arith.constant 0 : index
    %swap3A_45 = vector.load %arg8[%swap3A_43, %swap3A_44] : memref<1x64xf32, #tpu.memory_space<vmem>>, vector<1x64xf32>
    tpu.vector_store %arg8[%swap3A_43, %swap3A_44], %add3A_42 {strides = array<i32>} : memref<1x64xf32, #tpu.memory_space<vmem>>, vector<1x64xf32>,
    return
  }
  func.func @transform_0(%arg0: i32, %arg1: i32) -> (i32, i32, i32) {
    %c0_i32 = arith.constant 0 : i32
    %c0_i32_0 = arith.constant 0 : i32
    return %arg0, %arg1, %c0_i32 : i32, i32, i32
  }
  func.func @transform_1(%arg0: i32, %arg1: i32) -> (i32, i32, i32) {
    %c0_i32 = arith.constant 0 : i32
    %c0_i32_0 = arith.constant 0 : i32
    return %arg0, %arg1, %c0_i32 : i32, i32, i32
  }
  func.func @transform_2(%arg0: i32, %arg1: i32) -> i32 {
    %c0_i32 = arith.constant 0 : i32
    %c0_i32_0 = arith.constant 0 : i32
    return %c0_i32 : i32
  }
  func.func @transform_3(%arg0: i32, %arg1: i32) -> (i32, i32) {
    %c0_i32 = arith.constant 0 : i32
    %c0_i32_0 = arith.constant 0 : i32
    %c0_i32_1 = arith.constant 0 : i32
    return %c0_i32, %c0_i32_0 : i32, i32
  }
  func.func @transform_4(%arg0: i32, %arg1: i32) -> (i32, i32, i32) {
    %c0_i32 = arith.constant 0 : i32
    %c0_i32_0 = arith.constant 0 : i32
    return %arg0, %c0_i32, %arg1 : i32, i32, i32
  }
  func.func @transform_5(%arg0: i32, %arg1: i32) -> (i32, i32) {
    %c0_i32 = arith.constant 0 : i32
    %c0_i32_0 = arith.constant 0 : i32
    %c0_i32_1 = arith.constant 0 : i32
    return %c0_i32, %c0_i32_0 : i32, i32
  }
  func.func @transform_6(%arg0: i32, %arg1: i32) -> (i32, i32) {
    %c0_i32 = arith.constant 0 : i32
    %c0_i32_0 = arith.constant 0 : i32
    %c0_i32_1 = arith.constant 0 : i32
    return %c0_i32, %c0_i32_0 : i32, i32
  }
}

module attributes {stable_mosaic.version = 14 : i64} {
  func.func @_layer2_kernel(%arg0: i32, %arg1: i32, %arg2: memref<1x64x4096xf32, #tpu.memory_space<vmem>>, %arg3: memref<64x1xf32, #tpu.memory_space<vmem>>, %arg4: memref<64x1xf32, #tpu.memory_space<vmem>>, %arg5: memref<64x64xf32, #tpu.memory_space<vmem>>, %arg6: memref<1x64x4096xf32, #tpu.memory_space<vmem>>, %arg7: memref<1x64xf32, #tpu.memory_space<vmem>>, %arg8: memref<1x64xf32, #tpu.memory_space<vmem>>) attributes {dimension_semantics = [#tpu.dimension_semantics<arbitrary>, #tpu.dimension_semantics<arbitrary>], iteration_bounds = array<i64: 8, 4>, scalar_prefetch = 0 : i64, scratch_operands = 0 : i64, tpu.core_type = #tpu.core_type<tc>, window_params = [{transform_indices = @transform_0, window_bounds = array<i64: 1, 64, 4096>}, {pipeline_mode = #tpu.pipeline_mode<synchronous>, transform_indices = @transform_1, window_bounds = array<i64: 64, 1>}, {pipeline_mode = #tpu.pipeline_mode<synchronous>, transform_indices = @transform_2, window_bounds = array<i64: 64, 1>}, {pipeline_mode = #tpu.pipeline_mode<synchronous>, transform_indices = @transform_3, window_bounds = array<i64: 64, 64>}, {transform_indices = @transform_4, window_bounds = array<i64: 1, 64, 4096>}, {pipeline_mode = #tpu.pipeline_mode<synchronous>, transform_indices = @transform_5, window_bounds = array<i64: 1, 64>}, {pipeline_mode = #tpu.pipeline_mode<synchronous>, transform_indices = @transform_6, window_bounds = array<i64: 1, 64>}]} {
    %get3A = arith.constant 0 : index
    %get3A_0 = arith.constant 0 : index
    %get3A_1 = vector.load %arg3[%get3A, %get3A_0] : memref<64x1xf32, #tpu.memory_space<vmem>>, vector<64x1xf32>
    %get3A_2 = arith.constant 0 : index
    %get3A_3 = arith.constant 0 : index
    %get3A_4 = vector.load %arg4[%get3A_2, %get3A_3] : memref<64x1xf32, #tpu.memory_space<vmem>>, vector<64x1xf32>
    %get3A_5 = arith.constant 0 : index
    %get3A_6 = arith.constant 0 : index
    %get3A_7 = arith.constant 0 : index
    %get3A_8 = vector.load %arg2[%get3A_5, %get3A_6, %get3A_7] : memref<1x64x4096xf32, #tpu.memory_space<vmem>>, vector<1x64x4096xf32>
    %get3A_9 = vector.shape_cast %get3A_8 : vector<1x64x4096xf32> to vector<64x4096xf32>
    %mul3A = vector.broadcast %get3A_1 : vector<64x1xf32> to vector<64x4096xf32>
    %mul3A_10 = arith.mulf %mul3A, %get3A_9 : vector<64x4096xf32>
    %add3A = vector.broadcast %get3A_4 : vector<64x1xf32> to vector<64x4096xf32>
    %add3A_11 = arith.addf %mul3A_10, %add3A : vector<64x4096xf32>
    %max3A = arith.constant 0.000000e+00 : f32
    %max3A_12 = vector.broadcast %max3A : f32 to vector<64x4096xf32>
    %max3A_13 = arith.maximumf %add3A_11, %max3A_12 : vector<64x4096xf32>
    %get3A_14 = arith.constant 0 : index
    %get3A_15 = arith.constant 0 : index
    %get3A_16 = vector.load %arg5[%get3A_14, %get3A_15] : memref<64x64xf32, #tpu.memory_space<vmem>>, vector<64x64xf32>
    %dot_general3A = arith.constant dense<0.000000e+00> : vector<64x4096xf32>
    %dot_general3A_17 = tpu.matmul %get3A_16, %max3A_13, %dot_general3A {dimension_numbers = #tpu.dot_dimension_numbers<[1], [0], [0], [1], [0, 0, 1, 1], [], []>, transpose_lhs_hint = false} : vector<64x64xf32>, vector<64x4096xf32>, vector<64x4096xf32> -> vector<64x4096xf32>
    %swap3A = arith.constant 0 : index
    %swap3A_18 = arith.constant 0 : index
    %swap3A_19 = arith.constant 0 : index
    %swap3A_20 = vector.load %arg6[%swap3A, %swap3A_18, %swap3A_19] : memref<1x64x4096xf32, #tpu.memory_space<vmem>>, vector<1x64x4096xf32>
    %swap3A_21 = vector.shape_cast %swap3A_20 : vector<1x64x4096xf32> to vector<64x4096xf32>
    %swap3A_22 = vector.shape_cast %dot_general3A_17 : vector<64x4096xf32> to vector<1x64x4096xf32>
    tpu.vector_store %arg6[%swap3A, %swap3A_18, %swap3A_19], %swap3A_22 {strides = array<i32>} : memref<1x64x4096xf32, #tpu.memory_space<vmem>>, vector<1x64x4096xf32>,
    %eq3A = arith.constant 0 : i32
    %eq3A_23 = arith.cmpi eq, %arg0, %eq3A : i32
    %eq3A_24 = arith.constant 0 : i32
    %eq3A_25 = arith.cmpi eq, %arg1, %eq3A_24 : i32
    %and3A = arith.andi %eq3A_23, %eq3A_25 : i1
    %convert_element_type3A = arith.extui %and3A : i1 to i32
    %cond3A = arith.constant 0 : i32
    %cond3A_26 = arith.cmpi ne, %convert_element_type3A, %cond3A : i32
    scf.if %cond3A_26 {
      %broadcast_in_dim3A_46 = arith.constant 0.000000e+00 : f32
      %broadcast_in_dim3A_47 = vector.broadcast %broadcast_in_dim3A_46 : f32 to vector<1x64xf32>
      %swap3A_48 = arith.constant 0 : index
      %swap3A_49 = arith.constant 0 : index
      %swap3A_50 = vector.load %arg7[%swap3A_48, %swap3A_49] : memref<1x64xf32, #tpu.memory_space<vmem>>, vector<1x64xf32>
      tpu.vector_store %arg7[%swap3A_48, %swap3A_49], %broadcast_in_dim3A_47 {strides = array<i32>} : memref<1x64xf32, #tpu.memory_space<vmem>>, vector<1x64xf32>,
      %broadcast_in_dim3A_51 = arith.constant 0.000000e+00 : f32
      %broadcast_in_dim3A_52 = vector.broadcast %broadcast_in_dim3A_51 : f32 to vector<1x64xf32>
      %swap3A_53 = arith.constant 0 : index
      %swap3A_54 = arith.constant 0 : index
      %swap3A_55 = vector.load %arg8[%swap3A_53, %swap3A_54] : memref<1x64xf32, #tpu.memory_space<vmem>>, vector<1x64xf32>
      tpu.vector_store %arg8[%swap3A_53, %swap3A_54], %broadcast_in_dim3A_52 {strides = array<i32>} : memref<1x64xf32, #tpu.memory_space<vmem>>, vector<1x64xf32>,
    } else {
    }
    %get3A_27 = arith.constant 0 : index
    %get3A_28 = arith.constant 0 : index
    %get3A_29 = vector.load %arg7[%get3A_27, %get3A_28] : memref<1x64xf32, #tpu.memory_space<vmem>>, vector<1x64xf32>
    %reduce_sum3A = arith.constant dense<0.000000e+00> : vector<64xf32>
    %reduce_sum3A_30 = vector.multi_reduction <add>, %dot_general3A_17, %reduce_sum3A [1] : vector<64x4096xf32> to vector<64xf32>
    %broadcast_in_dim3A = vector.shape_cast %reduce_sum3A_30 : vector<64xf32> to vector<1x64xf32>
    %add3A_31 = arith.addf %get3A_29, %broadcast_in_dim3A : vector<1x64xf32>
    %swap3A_32 = arith.constant 0 : index
    %swap3A_33 = arith.constant 0 : index
    %swap3A_34 = vector.load %arg7[%swap3A_32, %swap3A_33] : memref<1x64xf32, #tpu.memory_space<vmem>>, vector<1x64xf32>
    tpu.vector_store %arg7[%swap3A_32, %swap3A_33], %add3A_31 {strides = array<i32>} : memref<1x64xf32, #tpu.memory_space<vmem>>, vector<1x64xf32>,
    %get3A_35 = arith.constant 0 : index
    %get3A_36 = arith.constant 0 : index
    %get3A_37 = vector.load %arg8[%get3A_35, %get3A_36] : memref<1x64xf32, #tpu.memory_space<vmem>>, vector<1x64xf32>
    %mul3A_38 = arith.mulf %dot_general3A_17, %dot_general3A_17 : vector<64x4096xf32>
    %reduce_sum3A_39 = arith.constant dense<0.000000e+00> : vector<64xf32>
    %reduce_sum3A_40 = vector.multi_reduction <add>, %mul3A_38, %reduce_sum3A_39 [1] : vector<64x4096xf32> to vector<64xf32>
    %broadcast_in_dim3A_41 = vector.shape_cast %reduce_sum3A_40 : vector<64xf32> to vector<1x64xf32>
    %add3A_42 = arith.addf %get3A_37, %broadcast_in_dim3A_41 : vector<1x64xf32>
    %swap3A_43 = arith.constant 0 : index
    %swap3A_44 = arith.constant 0 : index
    %swap3A_45 = vector.load %arg8[%swap3A_43, %swap3A_44] : memref<1x64xf32, #tpu.memory_space<vmem>>, vector<1x64xf32>
    tpu.vector_store %arg8[%swap3A_43, %swap3A_44], %add3A_42 {strides = array<i32>} : memref<1x64xf32, #tpu.memory_space<vmem>>, vector<1x64xf32>,
    return
  }
  func.func @transform_0(%arg0: i32, %arg1: i32) -> (i32, i32, i32) {
    %c0_i32 = arith.constant 0 : i32
    %c0_i32_0 = arith.constant 0 : i32
    return %arg0, %c0_i32, %arg1 : i32, i32, i32
  }
  func.func @transform_1(%arg0: i32, %arg1: i32) -> (i32, i32) {
    %c0_i32 = arith.constant 0 : i32
    %c0_i32_0 = arith.constant 0 : i32
    %c0_i32_1 = arith.constant 0 : i32
    return %c0_i32, %c0_i32_0 : i32, i32
  }
  func.func @transform_2(%arg0: i32, %arg1: i32) -> (i32, i32) {
    %c0_i32 = arith.constant 0 : i32
    %c0_i32_0 = arith.constant 0 : i32
    %c0_i32_1 = arith.constant 0 : i32
    return %c0_i32, %c0_i32_0 : i32, i32
  }
  func.func @transform_3(%arg0: i32, %arg1: i32) -> (i32, i32) {
    %c0_i32 = arith.constant 0 : i32
    %c0_i32_0 = arith.constant 0 : i32
    %c0_i32_1 = arith.constant 0 : i32
    return %c0_i32, %c0_i32_0 : i32, i32
  }
  func.func @transform_4(%arg0: i32, %arg1: i32) -> (i32, i32, i32) {
    %c0_i32 = arith.constant 0 : i32
    %c0_i32_0 = arith.constant 0 : i32
    return %arg0, %c0_i32, %arg1 : i32, i32, i32
  }
  func.func @transform_5(%arg0: i32, %arg1: i32) -> (i32, i32) {
    %c0_i32 = arith.constant 0 : i32
    %c0_i32_0 = arith.constant 0 : i32
    %c0_i32_1 = arith.constant 0 : i32
    return %c0_i32, %c0_i32_0 : i32, i32
  }
  func.func @transform_6(%arg0: i32, %arg1: i32) -> (i32, i32) {
    %c0_i32 = arith.constant 0 : i32
    %c0_i32_0 = arith.constant 0 : i32
    %c0_i32_1 = arith.constant 0 : i32
    return %c0_i32, %c0_i32_0 : i32, i32
  }
}

module attributes {stable_mosaic.version = 14 : i64} {
  func.func @_finish_kernel(%arg0: i32, %arg1: i32, %arg2: memref<1x64x4096xf32, #tpu.memory_space<vmem>>, %arg3: memref<64x1xf32, #tpu.memory_space<vmem>>, %arg4: memref<64x1xf32, #tpu.memory_space<vmem>>, %arg5: memref<1x64x128xf32, #tpu.memory_space<vmem>>) attributes {dimension_semantics = [#tpu.dimension_semantics<arbitrary>, #tpu.dimension_semantics<arbitrary>], iteration_bounds = array<i64: 8, 4>, scalar_prefetch = 0 : i64, scratch_operands = 0 : i64, tpu.core_type = #tpu.core_type<tc>, window_params = [{transform_indices = @transform_0, window_bounds = array<i64: 1, 64, 4096>}, {pipeline_mode = #tpu.pipeline_mode<synchronous>, transform_indices = @transform_1, window_bounds = array<i64: 64, 1>}, {pipeline_mode = #tpu.pipeline_mode<synchronous>, transform_indices = @transform_2, window_bounds = array<i64: 64, 1>}, {transform_indices = @transform_3, window_bounds = array<i64: 1, 64, 128>}]} {
    %get3A = arith.constant 0 : index
    %get3A_0 = arith.constant 0 : index
    %get3A_1 = vector.load %arg3[%get3A, %get3A_0] : memref<64x1xf32, #tpu.memory_space<vmem>>, vector<64x1xf32>
    %get3A_2 = arith.constant 0 : index
    %get3A_3 = arith.constant 0 : index
    %get3A_4 = vector.load %arg4[%get3A_2, %get3A_3] : memref<64x1xf32, #tpu.memory_space<vmem>>, vector<64x1xf32>
    %get3A_5 = arith.constant 0 : index
    %get3A_6 = arith.constant 0 : index
    %get3A_7 = arith.constant 0 : index
    %get3A_8 = vector.load %arg2[%get3A_5, %get3A_6, %get3A_7] : memref<1x64x4096xf32, #tpu.memory_space<vmem>>, vector<1x64x4096xf32>
    %get3A_9 = vector.shape_cast %get3A_8 : vector<1x64x4096xf32> to vector<64x4096xf32>
    %mul3A = vector.broadcast %get3A_1 : vector<64x1xf32> to vector<64x4096xf32>
    %mul3A_10 = arith.mulf %mul3A, %get3A_9 : vector<64x4096xf32>
    %add3A = vector.broadcast %get3A_4 : vector<64x1xf32> to vector<64x4096xf32>
    %add3A_11 = arith.addf %mul3A_10, %add3A : vector<64x4096xf32>
    %max3A = arith.constant 0.000000e+00 : f32
    %max3A_12 = vector.broadcast %max3A : f32 to vector<64x4096xf32>
    %max3A_13 = arith.maximumf %add3A_11, %max3A_12 : vector<64x4096xf32>
    %reshape3A = vector.shape_cast %max3A_13 : vector<64x4096xf32> to vector<64x128x32xf32>
    %reduce_max3A = arith.constant dense<0xFF800000> : vector<64x128xf32>
    %reduce_max3A_14 = vector.multi_reduction <maximumf>, %reshape3A, %reduce_max3A [2] : vector<64x128x32xf32> to vector<64x128xf32>
    %swap3A = arith.constant 0 : index
    %swap3A_15 = arith.constant 0 : index
    %swap3A_16 = arith.constant 0 : index
    %swap3A_17 = vector.load %arg5[%swap3A, %swap3A_15, %swap3A_16] : memref<1x64x128xf32, #tpu.memory_space<vmem>>, vector<1x64x128xf32>
    %swap3A_18 = vector.shape_cast %swap3A_17 : vector<1x64x128xf32> to vector<64x128xf32>
    %swap3A_19 = vector.shape_cast %reduce_max3A_14 : vector<64x128xf32> to vector<1x64x128xf32>
    tpu.vector_store %arg5[%swap3A, %swap3A_15, %swap3A_16], %swap3A_19 {strides = array<i32>} : memref<1x64x128xf32, #tpu.memory_space<vmem>>, vector<1x64x128xf32>,
    return
  }
  func.func @transform_0(%arg0: i32, %arg1: i32) -> (i32, i32, i32) {
    %c0_i32 = arith.constant 0 : i32
    %c0_i32_0 = arith.constant 0 : i32
    return %arg0, %c0_i32, %arg1 : i32, i32, i32
  }
  func.func @transform_1(%arg0: i32, %arg1: i32) -> (i32, i32) {
    %c0_i32 = arith.constant 0 : i32
    %c0_i32_0 = arith.constant 0 : i32
    %c0_i32_1 = arith.constant 0 : i32
    return %c0_i32, %c0_i32_0 : i32, i32
  }
  func.func @transform_2(%arg0: i32, %arg1: i32) -> (i32, i32) {
    %c0_i32 = arith.constant 0 : i32
    %c0_i32_0 = arith.constant 0 : i32
    %c0_i32_1 = arith.constant 0 : i32
    return %c0_i32, %c0_i32_0 : i32, i32
  }
  func.func @transform_3(%arg0: i32, %arg1: i32) -> (i32, i32, i32) {
    %c0_i32 = arith.constant 0 : i32
    %c0_i32_0 = arith.constant 0 : i32
    return %arg0, %c0_i32, %arg1 : i32, i32, i32
  }
}

</mosaic_0001>

<sc_bundles>
// kernel: kernel.10.cloned.1.call-start
scs
__scs_entry_jumppad:
0x0: {  	(pc) =	sbr.rel $0x88, $3  }
0x1: {  	(tag) =	ssettag $0x0;
	lr =	simm.s32 $0x1  }
0x2: {  	[smem:$0x3F98] =	sst lr;
	_ =	strace $0xD0000000  }
0x3: {  	_ = 	snop  }
0x4: {  	_ = 	snop  }
0x5: {  	_ = 	snop  }
0x6: {  	_ = 	snop  }
0x7: {  	_ = 	snop  }
__scs_overlays_trampoline_lowered:
0x8: {  	[smem:$0x3FA7] =	sst s0  }
0x9: {  	[smem:$0x3FA8] =	sst s1  }
0xa: {  	[smem:$0x3FA9] =	sst s2  }
0xb: {  	[smem:$0x3FAA] =	sst s3  }
0xc: {  	[smem:$0x3FAB] =	sst s4  }
0xd: {  	[smem:$0x3FAC] =	sst s5  }
0xe: {  	[smem:$0x3FAD] =	sst s6  }
0xf: {  	[smem:$0x3FAE] =	sst s7  }
0x10: {  	[smem:$0x3FAF] =	sst s8  }
0x11: {  	[smem:$0x3FB0] =	sst s9;
	s0 =	simm.s32 @!p0 $0x0  }
0x12: {  	s1 =	sld [smem:$0x3F96];
	s0 =	simm.s32 @p0 $0x1  }
0x13: {  	[smem:$0x3FB1] =	sst s0;
	s0 =	simm.s32 @!p1 $0x0  }
0x14: {  	s2 =	sld [smem:$0x3F95];
	s0 =	simm.s32 @p1 $0x1  }
0x15: {  	[smem:$0x3FB2] =	sst s0;
	s0 =	simm.s32 @!p2 $0x0  }
0x16: {  	s3 =	sld [smem:$0x3FDB];
	s0 =	simm.s32 @p2 $0x1  }
0x17: {  	s4 =	simm.s32 $0x1BF5;
	[smem:$0x3FB4] =	sst s0  }
0x18: {  	s0 =	sld [smem:$0x3F97];
	_ =	swait.ge [sflag:s4], $0x0  }
0x19: {  	s7 =	sld [smem:$0x3F98]  }
0x1a: {  	s8 =	sadd.s32 $0xFFFFE003, lr  }
0x1b: {  	s9 =	sadd.s32 $0xFFFFFEF7, lr;
	s5 =	simm.s32 $0xFFFFFFFF;
	p2 =	slt.u32 s8, $0xFFFFF086  }
0x1c: {  	p1 =	slt.u32 s9, $0xF7A;
	s5 =	simm.s32 @!p2 $0x0  }
0x1d: {  	s5 =	simm.s32 @p1 $0x1;
	p0 =	seq.s32 s7, s2  }
0x1e: {  	s7 =	smul.u32 @!p0 $0xF7A, s2;
	p2 =	seq.s32 @!p0 s5, $0x0  }
0x1f: {  	s9 =	smul.u32 $0xF7A, s1;
	s8 =	simm.s32 @!p0 $0x1BF5;
	p2 =	por !p2, p0  }
0x20: {  	[sflag:s8] =	ssyncset.s32 @!p0 $0xFFFFF086;
	s6 =	sadd.s32 @!p0 s3, s7;
	s7 =	simm.s32 @!p0 $0x108  }
0x21: {  	s3 =	sadd.s32 s3, s9;
	s6 =	sadd.s32 @!p0 $0x88, s6;
	s7 =	simm.s32 @p2 $0x1082  }
0x22: {  	[simem:s7], [sflag:s8] =	dma.local @!p0 [hbm:s6], $0xF7A  }
0x23: {  	s9 =	sor.u32 $0xD0000000, s2;
	s6 =	simm.s32 $0x108;
	_ =	swait.ge @!p0 [sflag:s8], $0x0  }
0x24: {  	s3 =	sadd.s32 $0x88, s3;
	s6 =	simm.s32 @!p1 $0x1082;
	[sflag:s4] =	ssyncset.s32 $0xFFFFF086  }
0x25: {  	[simem:s6], [sflag:s4] =	dma.local [hbm:s3], $0xF7A  }
0x26: {  	[smem:$0x3F98] =	sst s1;
	(tag) =	ssettag s2;
	_ =	strace s9  }
0x27: {  	s1 =	sld [smem:$0x3FA8]  }
0x28: {  	s2 =	sld [smem:$0x3FA9]  }
0x29: {  	s4 =	sld [smem:$0x3FAB]  }
0x2a: {  	p0 =	seq.s32 s5, $0x0;
	s5 =	sld [smem:$0x3FAC]  }
0x2b: {  	s6 =	sld [smem:$0x3FAD]  }
0x2c: {  	s7 =	sld [smem:$0x3FAE]  }
0x2d: {  	s3 =	simm.s32 $0x108;
	s8 =	sld [smem:$0x3FAF]  }
0x2e: {  	s3 =	simm.s32 @!p0 $0x1082;
	s9 =	sld [smem:$0x3FB0]  }
0x2f: {  	lr =	sadd.s32 s0, s3;
	s0 =	sld [smem:$0x3FA7]  }
0x30: {  	s3 =	sld [smem:$0x3FAA]  }
0x31: {  	[smem:$0x3FB3] =	sst s10  }
0x32: {  	s10 =	sld [smem:$0x3FB1];
	_ =	sdelay $0x3  }
0x33: {  	p0 =	seq.s32 s10, $0x1;
	s10 =	sld [smem:$0x3FB3];
	_ =	sdelay $0x3  }
0x34: {  	[smem:$0x3FB3] =	sst s10  }
0x35: {  	s10 =	sld [smem:$0x3FB2];
	_ =	sdelay $0x3  }
0x36: {  	p1 =	seq.s32 s10, $0x1;
	s10 =	sld [smem:$0x3FB3];
	_ =	sdelay $0x3  }
0x37: {  	[smem:$0x3FB3] =	sst s10  }
0x38: {  	s10 =	sld [smem:$0x3FB4]  }
0x39: {  	_ = 	snop;
	(pc) =	sbr.ind lr, $3  }
0x3a: {  	_ = 	snop  }
0x3b: {  	_ = 	snop  }
0x3c: {  	p2 =	seq.s32 s10, $0x1;
	s10 =	sld [smem:$0x3FB3]  }
0x3d: {  	_ =	shalt  }
0x3e: {  	_ =	shalt  }
0x3f: {  	_ =	shalt  }
0x40: {  	_ =	shalt  }
0x41: {  	_ =	shalt  }
0x42: {  	_ =	shalt  }
0x43: {  	_ =	shalt  }
0x44: {  	_ =	shalt  }
0x45: {  	_ =	shalt  }
0x46: {  	_ =	shalt  }
0x47: {  	_ =	shalt  }
0x48: {  	_ =	shalt  }
0x49: {  	_ =	shalt  }
0x4a: {  	_ =	shalt  }
0x4b: {  	_ =	shalt  }
0x4c: {  	_ =	shalt  }
0x4d: {  	_ =	shalt  }
0x4e: {  	_ =	shalt  }
0x4f: {  	_ =	shalt  }
0x50: {  	_ =	shalt  }
0x51: {  	_ =	shalt  }
0x52: {  	_ =	shalt  }
0x53: {  	_ =	shalt  }
0x54: {  	_ =	shalt  }
0x55: {  	_ =	shalt  }
0x56: {  	_ =	shalt  }
0x57: {  	_ =	shalt  }
0x58: {  	_ =	shalt  }
0x59: {  	_ =	shalt  }
0x5a: {  	_ =	shalt  }
0x5b: {  	_ =	shalt  }
0x5c: {  	_ =	shalt  }
0x5d: {  	_ =	shalt  }
0x5e: {  	_ =	shalt  }
0x5f: {  	_ =	shalt  }
0x60: {  	_ =	shalt  }
0x61: {  	_ =	shalt  }
0x62: {  	_ =	shalt  }
0x63: {  	_ =	shalt  }
0x64: {  	_ =	shalt  }
0x65: {  	_ =	shalt  }
0x66: {  	_ =	shalt  }
0x67: {  	_ =	shalt  }
0x68: {  	_ =	shalt  }
0x69: {  	_ =	shalt  }
0x6a: {  	_ =	shalt  }
0x6b: {  	_ =	shalt  }
0x6c: {  	_ =	shalt  }
0x6d: {  	_ =	shalt  }
0x6e: {  	_ =	shalt  }
0x6f: {  	_ =	shalt  }
0x70: {  	_ =	shalt  }
0x71: {  	_ =	shalt  }
0x72: {  	_ =	shalt  }
0x73: {  	_ =	shalt  }
0x74: {  	_ =	shalt  }
0x75: {  	_ =	shalt  }
0x76: {  	_ =	shalt  }
0x77: {  	_ =	shalt  }
0x78: {  	_ =	shalt  }
0x79: {  	_ =	shalt  }
0x7a: {  	_ =	shalt  }
0x7b: {  	_ =	shalt  }
0x7c: {  	_ =	shalt  }
0x7d: {  	_ =	shalt  }
0x7e: {  	_ =	shalt  }
0x7f: {  	_ =	shalt  }
0x80: {  	_ =	shalt  }
0x81: {  	_ =	shalt  }
0x82: {  	_ =	shalt  }
0x83: {  	_ =	shalt  }
0x84: {  	_ =	shalt  }
0x85: {  	_ =	shalt  }
0x86: {  	_ =	shalt  }
0x87: {  	_ =	shalt  }
.Lfunc_end0:
.L_simem_size_0:
called_computation_lowered:
.L_overlay_start_0:
0x88: {  	s2 =	sld [smem:$0x3FD9]  }
0x89: {  	s3 =	sld [smem:$0x3FFE];
	_ =	sdelay $0x1  }
0x8a: {  	s1 =	srdreg.scid  }
0x8b: {  	s0 =	sand.u32 $0x1, s1  }
0x8c: {  	s17 =	sshll.u32 s0, $0xA;
	s2 =	sadd.s32 s3, s2  }
0x8d: {  	s2 =	sadd.s32 s2, s17  }
0x8e: {  	[smem:$0x3FBF] =	sst s2  }
0x8f: {  	_ = 	snop  }
0x90: {  	(tm) =	ssettm $0x1  }
0x91: {  	s18 =	sld [smem:$0x3FFB];
	_ =	sdelay $0x3  }
0x92: {  	_ =	strace s18  }
0x93: {  	s2 =	sld [smem:$0x3FFC];
	_ =	sdelay $0x3  }
0x94: {  	_ =	strace s2  }
0x95: {  	s2 =	sld [smem:$0x3FFD];
	_ =	sdelay $0x3  }
0x96: {  	_ =	strace s2  }
0x97: {  	_ =	strace $0x8FFFFFFF  }
0x98: {  	s19 =	sld [smem:$0x3FDB];
	_ =	sdelay $0x1  }
0x99: {  	s20 =	simm.s32 $_scs_section_size  }
0x9a: {  	s4 =	simm.s32 $_size__tile_overlayer_lowered;
	s5 =	simm.s32 $_tile_overlayer_lowered  }
0x9b: {  	s6 =	simm.s32 $0x1BFF;
	s21 =	sshll.u32 s5, $0x1;
	s3 =	sadd.s32 s20, s19  }
0x9c: {  	s22 =	simm.s32 $0x0;
	s4 =	sshll.u32 s4, $0x1;
	s5 =	sadd.s32 s21, s3  }
0x9d: {  	[timem:s22], [sflag:s6] =	dma.local [hbm:s5], s4  }
0x9e: {  	_ =	swait.ge [sflag:s6], s4  }
0x9f: {  	s4 =	ssub.s32 $0x0, s4;
	[sflag:s6] =	ssyncset.done $0x0  }
0xa0: {  	[sflag:s6] =	ssyncadd.s32 s4;
	_ =	sdelay $0x1  }
0xa1: {  	s23 =	simm.s32 $0x1B8B  }
0xa2: {  	_ =	swait.ge [sflag:s23], $0x1  }
0xa3: {  	[sflag:s23] =	ssyncset.done $0x0  }
0xa4: {  	[sflag:s23] =	ssyncadd.s32 $0xFFFFFFFF  }
0xa5: {  	s4 =	sld [smem:$0x0]  }
0xa6: {  	s5 =	sand.u32 $0xFFFFFFFE, s1  }
0xa7: {  	p0 =	sne.s32 s1, s5  }
0xa8: {  	s5 =	sshll.u32 @p0 s5, $0xE  }
0xa9: {  	s5 =	sadd.s32 @p0 $0x11B8D, s5;
	s6 =	sshll.u32 @p0 s4, $0x11  }
0xaa: {  	s5 =	sor.u32 @p0 s6, s5  }
0xab: {  	[sflag:s5] =	ssyncadd.remote.s32 @p0 $0x1;
	_ =	sdelay $0x1  }
0xac: {  	s5 =	simm.s32 @p0 $0x1B8D  }
0xad: {  	_ =	swait.eq @p0 [sflag:s5], $0x1  }
0xae: {  	[sflag:s5] =	ssyncadd.s32 @p0 $0xFFFFFFFF  }
0xaf: {  	s6 =	sshll.u32 @!p0 s1, $0xE  }
0xb0: {  	s6 =	sor.u32 @!p0 $0x4000, s6;
	s5 =	simm.s32 @!p0 $0x1B8D  }
0xb1: {  	s4 =	sshll.u32 @!p0 s4, $0x11;
	s6 =	sadd.s32 @!p0 $0x11B8D, s6;
	_ =	swait.eq @!p0 [sflag:s5], $0x1  }
0xb2: {  	s4 =	sor.u32 @!p0 s4, s6;
	[sflag:s5] =	ssyncadd.s32 @!p0 $0xFFFFFFFF  }
0xb3: {  	s25 =	simm.s32 $0x1B8E;
	s24 =	sld [smem:$0x3FFE];
	[sflag:s4] =	ssyncadd.remote.s32 @!p0 $0x1  }
0xb4: {  	s26 =	simm.s32 $execute0_lowered;
	[smem:$0x3FD2] =	sst s25  }
0xb5: {  	s5 =	sshll.u32 s26, $0x1;
	_ =	strace $0x80000049;
	[dreg:$0x1] =	wrdreg $0xFFFFFFFF  }
0xb6: {  	s28 =	simm.s32 $_size_execute0_lowered;
	s3 =	sadd.s32 s3, s5;
	[dreg:$0x0] =	wrdreg $0x0  }
0xb7: {  	s5 =	sshll.u32 s28, $0x1;
	[dreg:$0x2] =	wrdreg s3  }
0xb8: {  	[dreg:$0x3] =	wrdreg s5  }
0xb9: {  	[dreg:$0x4] =	wrdreg $0xC0  }
0xba: {  	_ =	task [dreg:s22], $0x5FFFF  }
0xbb: {  	[dreg:$0x1] =	wrdreg $0xFFFFFFFF  }
0xbc: {  	[dreg:$0x0] =	wrdreg $0x60  }
0xbd: {  	[dreg:$0x2] =	wrdreg s24  }
0xbe: {  	[dreg:$0x3] =	wrdreg $0x9  }
0xbf: {  	_ =	task.clear_ibuf [dreg:s22], $0x4FFFF;
	_ =	strace $0x90000049  }
0xc0: {  	s29 =	simm.s32 $0x9;
	_ =	strace $0x8000004B  }
0xc1: {  	_ =	swait.ge [sflag:s29], $0x1  }
0xc2: {  	[sflag:s29] =	ssyncadd.s32 $0xFFFFFFFF  }
0xc3: {  	_ =	strace $0x9000004B  }
0xc4: {  	_ =	sfence  }
0xc5: {  	s30 =	sld [smem:$0x0];
	_ =	sdelay $0x2  }
0xc6: {  	s31 =	sshll.u32 s1, $0xD;
	s1 =	sshrl.u32 s1, $0x2  }
0xc7: {  	s4 =	sand.u32 $0x4000, s31;
	s1 =	sadd.s32 s1, s30  }
0xc8: {  	s0 =	sor.u32 s4, s0;
	s1 =	sshll.u32 s1, $0x11  }
0xc9: {  	s0 =	sor.u32 s1, s0  }
0xca: {  	s0 =	sadd.s32 $0x8F2B, s0  }
0xcb: {  	[sflag:s0] =	ssyncadd.remote.s32 $0x1  }
0xcc: {  	_ =	sfence.sel $0xFFFF  }
0xcd: {  	[dreg:$0x0] =	wrdreg $0xFFFFFFFF;
	(pc) =	sbr.abs _section_cstart, $3  }
0xce: {  	[dreg:$0x1] =	wrdreg $0xFFFFFFFF  }
0xcf: {  	_ =	task.clear_ibuf [dreg:s22], $0x2FFFF;
	_ =	strace $0x9FFFFFFF  }
0xd0: {  	(tm) =	ssettm $0x7FFFFFFF  }
0xd1: {  	_ =	shalt  }
tec
execute0_lowered:
.L_overlay_start_1:
0x0: {  	(tag) =	ssettag $0x1  }
0x1: {  	s1 =	srdreg.scid  }
0x2: {  	s0 =	stileid.u32;
	s6 =	sand.u32 $0x1, s1  }
0x3: {  	s8 =	rddreg [dreg:$0x0];
	s30 =	sshll.u32 s0, $0x8;
	s2 =	sshll.u32 s6, $0x7  }
0x4: {  	s7 =	simm.s32 $0x1;
	s1 =	rddreg [dreg:$0x1];
	s9 =	sor.u32 s2, s30  }
0x5: {  	s5 =	sadd.s32 $0x2800, s8;
	s2 =	simm.s32 $0x0;
	s3 =	sshrl.u32 s9, $0x3  }
0x6: {  	s10 =	ssub.s32 $0x2, s6;
	[smem:$0x7FF] =	sst s2;
	s3 =	sadd.s32 s3, s8  }
0x7: {  	_ =	strace $0x8000004A;
	s4 =	sadd.s32 $0xA2800, s3;
	s3 =	simm.s32 $0x2  }
0x8: {  	[tilespmem:s2], [sflag:$0x2] =	stream.linear.gather [hbm4b:s4+s2], $0x80, $0x38;
	[tilespmem:$0x1080] =	vst v63  }
0x9: {  	s6 =	simm.s32 $0x80;
	s11 =	sshrl.u32 s10, $0x1;
	_ =	swait.ge [sflag:s3], $0x80  }
0xa: {  	s9 =	sshll.u32 s9, $0x2;
	s31 =	ssub.s32 s10, s11;
	[sflag:s3] =	ssyncset.done $0x0  }
0xb: {  	s8 =	sadd.s32 s9, s8;
	s9 =	smax.u32 s31, $0x1;
	[sflag:s3] =	ssyncadd.s32 $0xFFFFFF80  }
0xc: {  	[tilespmem:s6], [sflag:$0x1] =	stream.indirect.gather [hbm4b:s5+s6], $0x20, s2, s6, $0xb8;
	[tilespmem:$0x1080] =	vst v63  }
0xd: {  	p0 =	sne.s32 s9, $0x1;
	_ =	swait.ge [sflag:s7], $0x1000  }
.Ltmp0:
0xe: {  	[sflag:s7] =	ssyncset.done $0x0;
	(pc) =	sbr.rel @!p0 .LBB2_2-.Ltmp0, $4  }
0xf: {  	s8 =	sadd.s32 $0xA2A00, s8;
	[sflag:s7] =	ssyncadd.s32 $0xFFFFF000  }
0x10: {  	[hbm4b:s8+s2] =	stream.linear.scatter [tilespmem:s6], [sflag:$0x2], $0x1000, $0x38;
	[tilespmem:$0x1080] =	vst v63  }
0x11: {  	_ =	swait.ge [sflag:s3], $0x1000  }
0x12: {  	s9 =	sadd.s32 $0xFFFFFFFF, s9;
	[sflag:s3] =	ssyncset.done $0x0  }
.LBB2_1:
0x13: {  	p0 =	sne.s32 s9, $0x1;
	s9 =	sadd.s32 $0xFFFFFFFF, s9;
	[sflag:s3] =	ssyncadd.s32 $0xFFFFF000  }
0x14: {  	[tilespmem:s2], [sflag:$0x2] =	stream.linear.gather [hbm4b:s4+s2], $0x80, $0x38;
	[tilespmem:$0x1080] =	vst v63  }
0x15: {  	_ =	swait.ge [sflag:s3], $0x80  }
0x16: {  	[sflag:s3] =	ssyncset.done $0x0  }
0x17: {  	[sflag:s3] =	ssyncadd.s32 $0xFFFFFF80  }
0x18: {  	[tilespmem:s6], [sflag:$0x1] =	stream.indirect.gather [hbm4b:s5+s6], $0x20, s2, s6, $0xb8;
	[tilespmem:$0x1080] =	vst v63  }
0x19: {  	_ =	swait.ge [sflag:s7], $0x1000  }
.Ltmp1:
0x1a: {  	[sflag:s7] =	ssyncset.done $0x0;
	(pc) =	sbr.rel @p0 .LBB2_1-.Ltmp1, $4  }
0x1b: {  	[sflag:s7] =	ssyncadd.s32 $0xFFFFF000  }
0x1c: {  	[hbm4b:s8+s2] =	stream.linear.scatter [tilespmem:s6], [sflag:$0x2], $0x1000, $0x38;
	[tilespmem:$0x1080] =	vst v63  }
0x1d: {  	_ =	swait.ge [sflag:s3], $0x1000  }
0x1e: {  	[sflag:s3] =	ssyncset.done $0x0  }
.LBB2_2:
0x1f: {  	[sflag:s3] =	ssyncadd.s32 $0xFFFFF000  }
0x20: {  	_ =	sfence.sel $0x180000  }
0x21: {  	[bflag:$0x0] =	sbarrier.arrive $0xFFFF  }
0x22: {  	p0 =	sne.s32 s0, $0x0;
	_ =	strace $0x9000004A  }
0x23: {  	s0 =	sadd.s32 @!p0 $0x100000, s1;
	[bflag:$0x2] =	sbarrier.arrive $0xFFFF  }
0x24: {  	[sflag:s0] =	ssyncadd.tile.s32 @!p0 $0x1;
	_ =	shalt  }
.Lfunc_end2:
_tile_overlayer_lowered:
.L_overlay_start_2:
0x25: {  	(tag) =	ssettag $0x2  }
0x26: {  	s0 =	rddreg [dreg:$0x0];
	s2 =	stileid.u32  }
0x27: {  	s1 =	rddreg [dreg:$0x1];
	p0 =	sne.s32 s2, $0x0  }
0x28: {  	s3 =	rddreg [dreg:$0x2];
	[bflag:$0x3] =	sbarrier.arrive $0xFFFF;
	s2 =	simm.s32 @!p0 $0x1C02  }
0x29: {  	[timem:s3], [sflag:s2] =	dma.local @!p0 [hbm:s0], s1  }
0x2a: {  	s0 =	simm.s32 @!p0 $0x2  }
0x2b: {  	_ =	swait.ge @!p0 [sflag:s0], s1  }
0x2c: {  	s1 =	ssub.s32 @!p0 $0x0, s1;
	[sflag:s0] =	ssyncset.done @!p0 $0x0  }
0x2d: {  	[sflag:s0] =	ssyncadd.s32 @!p0 s1  }
0x2e: {  	[bflag:$0x3] =	sbarrier.arrive $0xFFFF  }
0x2f: {  	_ =	shalt  }

// kernel: kernel.13.cloned.1.call-start
scs
__scs_entry_jumppad:
0x0: {  	(pc) =	sbr.rel $0x88, $3  }
0x1: {  	(tag) =	ssettag $0x0;
	lr =	simm.s32 $0x1  }
0x2: {  	[smem:$0x3F98] =	sst lr;
	_ =	strace $0xD0000000  }
0x3: {  	_ = 	snop  }
0x4: {  	_ = 	snop  }
0x5: {  	_ = 	snop  }
0x6: {  	_ = 	snop  }
0x7: {  	_ = 	snop  }
__scs_overlays_trampoline_lowered:
0x8: {  	[smem:$0x3FA7] =	sst s0  }
0x9: {  	[smem:$0x3FA8] =	sst s1  }
0xa: {  	[smem:$0x3FA9] =	sst s2  }
0xb: {  	[smem:$0x3FAA] =	sst s3  }
0xc: {  	[smem:$0x3FAB] =	sst s4  }
0xd: {  	[smem:$0x3FAC] =	sst s5  }
0xe: {  	[smem:$0x3FAD] =	sst s6  }
0xf: {  	[smem:$0x3FAE] =	sst s7  }
0x10: {  	[smem:$0x3FAF] =	sst s8  }
0x11: {  	[smem:$0x3FB0] =	sst s9;
	s0 =	simm.s32 @!p0 $0x0  }
0x12: {  	s1 =	sld [smem:$0x3F96];
	s0 =	simm.s32 @p0 $0x1  }
0x13: {  	[smem:$0x3FB1] =	sst s0;
	s0 =	simm.s32 @!p1 $0x0  }
0x14: {  	s2 =	sld [smem:$0x3F95];
	s0 =	simm.s32 @p1 $0x1  }
0x15: {  	[smem:$0x3FB2] =	sst s0;
	s0 =	simm.s32 @!p2 $0x0  }
0x16: {  	s3 =	sld [smem:$0x3FDB];
	s0 =	simm.s32 @p2 $0x1  }
0x17: {  	s4 =	simm.s32 $0x1BF5;
	[smem:$0x3FB4] =	sst s0  }
0x18: {  	s0 =	sld [smem:$0x3F97];
	_ =	swait.ge [sflag:s4], $0x0  }
0x19: {  	s7 =	sld [smem:$0x3F98]  }
0x1a: {  	s8 =	sadd.s32 $0xFFFFE003, lr  }
0x1b: {  	s9 =	sadd.s32 $0xFFFFFEF7, lr;
	s5 =	simm.s32 $0xFFFFFFFF;
	p2 =	slt.u32 s8, $0xFFFFF086  }
0x1c: {  	p1 =	slt.u32 s9, $0xF7A;
	s5 =	simm.s32 @!p2 $0x0  }
0x1d: {  	s5 =	simm.s32 @p1 $0x1;
	p0 =	seq.s32 s7, s2  }
0x1e: {  	s7 =	smul.u32 @!p0 $0xF7A, s2;
	p2 =	seq.s32 @!p0 s5, $0x0  }
0x1f: {  	s9 =	smul.u32 $0xF7A, s1;
	s8 =	simm.s32 @!p0 $0x1BF5;
	p2 =	por !p2, p0  }
0x20: {  	[sflag:s8] =	ssyncset.s32 @!p0 $0xFFFFF086;
	s6 =	sadd.s32 @!p0 s3, s7;
	s7 =	simm.s32 @!p0 $0x108  }
0x21: {  	s3 =	sadd.s32 s3, s9;
	s6 =	sadd.s32 @!p0 $0x88, s6;
	s7 =	simm.s32 @p2 $0x1082  }
0x22: {  	[simem:s7], [sflag:s8] =	dma.local @!p0 [hbm:s6], $0xF7A  }
0x23: {  	s9 =	sor.u32 $0xD0000000, s2;
	s6 =	simm.s32 $0x108;
	_ =	swait.ge @!p0 [sflag:s8], $0x0  }
0x24: {  	s3 =	sadd.s32 $0x88, s3;
	s6 =	simm.s32 @!p1 $0x1082;
	[sflag:s4] =	ssyncset.s32 $0xFFFFF086  }
0x25: {  	[simem:s6], [sflag:s4] =	dma.local [hbm:s3], $0xF7A  }
0x26: {  	[smem:$0x3F98] =	sst s1;
	(tag) =	ssettag s2;
	_ =	strace s9  }
0x27: {  	s1 =	sld [smem:$0x3FA8]  }
0x28: {  	s2 =	sld [smem:$0x3FA9]  }
0x29: {  	s4 =	sld [smem:$0x3FAB]  }
0x2a: {  	p0 =	seq.s32 s5, $0x0;
	s5 =	sld [smem:$0x3FAC]  }
0x2b: {  	s6 =	sld [smem:$0x3FAD]  }
0x2c: {  	s7 =	sld [smem:$0x3FAE]  }
0x2d: {  	s3 =	simm.s32 $0x108;
	s8 =	sld [smem:$0x3FAF]  }
0x2e: {  	s3 =	simm.s32 @!p0 $0x1082;
	s9 =	sld [smem:$0x3FB0]  }
0x2f: {  	lr =	sadd.s32 s0, s3;
	s0 =	sld [smem:$0x3FA7]  }
0x30: {  	s3 =	sld [smem:$0x3FAA]  }
0x31: {  	[smem:$0x3FB3] =	sst s10  }
0x32: {  	s10 =	sld [smem:$0x3FB1];
	_ =	sdelay $0x3  }
0x33: {  	p0 =	seq.s32 s10, $0x1;
	s10 =	sld [smem:$0x3FB3];
	_ =	sdelay $0x3  }
0x34: {  	[smem:$0x3FB3] =	sst s10  }
0x35: {  	s10 =	sld [smem:$0x3FB2];
	_ =	sdelay $0x3  }
0x36: {  	p1 =	seq.s32 s10, $0x1;
	s10 =	sld [smem:$0x3FB3];
	_ =	sdelay $0x3  }
0x37: {  	[smem:$0x3FB3] =	sst s10  }
0x38: {  	s10 =	sld [smem:$0x3FB4]  }
0x39: {  	_ = 	snop;
	(pc) =	sbr.ind lr, $3  }
0x3a: {  	_ = 	snop  }
0x3b: {  	_ = 	snop  }
0x3c: {  	p2 =	seq.s32 s10, $0x1;
	s10 =	sld [smem:$0x3FB3]  }
0x3d: {  	_ =	shalt  }
0x3e: {  	_ =	shalt  }
0x3f: {  	_ =	shalt  }
0x40: {  	_ =	shalt  }
0x41: {  	_ =	shalt  }
0x42: {  	_ =	shalt  }
0x43: {  	_ =	shalt  }
0x44: {  	_ =	shalt  }
0x45: {  	_ =	shalt  }
0x46: {  	_ =	shalt  }
0x47: {  	_ =	shalt  }
0x48: {  	_ =	shalt  }
0x49: {  	_ =	shalt  }
0x4a: {  	_ =	shalt  }
0x4b: {  	_ =	shalt  }
0x4c: {  	_ =	shalt  }
0x4d: {  	_ =	shalt  }
0x4e: {  	_ =	shalt  }
0x4f: {  	_ =	shalt  }
0x50: {  	_ =	shalt  }
0x51: {  	_ =	shalt  }
0x52: {  	_ =	shalt  }
0x53: {  	_ =	shalt  }
0x54: {  	_ =	shalt  }
0x55: {  	_ =	shalt  }
0x56: {  	_ =	shalt  }
0x57: {  	_ =	shalt  }
0x58: {  	_ =	shalt  }
0x59: {  	_ =	shalt  }
0x5a: {  	_ =	shalt  }
0x5b: {  	_ =	shalt  }
0x5c: {  	_ =	shalt  }
0x5d: {  	_ =	shalt  }
0x5e: {  	_ =	shalt  }
0x5f: {  	_ =	shalt  }
0x60: {  	_ =	shalt  }
0x61: {  	_ =	shalt  }
0x62: {  	_ =	shalt  }
0x63: {  	_ =	shalt  }
0x64: {  	_ =	shalt  }
0x65: {  	_ =	shalt  }
0x66: {  	_ =	shalt  }
0x67: {  	_ =	shalt  }
0x68: {  	_ =	shalt  }
0x69: {  	_ =	shalt  }
0x6a: {  	_ =	shalt  }
0x6b: {  	_ =	shalt  }
0x6c: {  	_ =	shalt  }
0x6d: {  	_ =	shalt  }
0x6e: {  	_ =	shalt  }
0x6f: {  	_ =	shalt  }
0x70: {  	_ =	shalt  }
0x71: {  	_ =	shalt  }
0x72: {  	_ =	shalt  }
0x73: {  	_ =	shalt  }
0x74: {  	_ =	shalt  }
0x75: {  	_ =	shalt  }
0x76: {  	_ =	shalt  }
0x77: {  	_ =	shalt  }
0x78: {  	_ =	shalt  }
0x79: {  	_ =	shalt  }
0x7a: {  	_ =	shalt  }
0x7b: {  	_ =	shalt  }
0x7c: {  	_ =	shalt  }
0x7d: {  	_ =	shalt  }
0x7e: {  	_ =	shalt  }
0x7f: {  	_ =	shalt  }
0x80: {  	_ =	shalt  }
0x81: {  	_ =	shalt  }
0x82: {  	_ =	shalt  }
0x83: {  	_ =	shalt  }
0x84: {  	_ =	shalt  }
0x85: {  	_ =	shalt  }
0x86: {  	_ =	shalt  }
0x87: {  	_ =	shalt  }
.Lfunc_end0:
.L_simem_size_0:
called_computation.1_lowered:
.L_overlay_start_0:
0x88: {  	s2 =	sld [smem:$0x3FD9]  }
0x89: {  	s3 =	sld [smem:$0x3FFE];
	_ =	sdelay $0x1  }
0x8a: {  	s1 =	srdreg.scid  }
0x8b: {  	s0 =	sand.u32 $0x1, s1  }
0x8c: {  	s14 =	sshll.u32 s0, $0xA;
	s2 =	sadd.s32 s3, s2  }
0x8d: {  	s2 =	sadd.s32 s2, s14  }
0x8e: {  	[smem:$0x3FBF] =	sst s2  }
0x8f: {  	_ = 	snop  }
0x90: {  	s2 =	sld [smem:$0x3FD0];
	_ =	sdelay $0x2  }
0x91: {  	s15 =	simm.s32 $0xB;
	s4 =	simm.s32 $0x10  }
0x92: {  	[smem:s4], [sflag:s15] =	dma.local [hbm:s2], $0x1  }
0x93: {  	_ =	swait.eq [sflag:s15], $0x1  }
0x94: {  	[sflag:s15] =	ssyncset.done $0x0  }
0x95: {  	[sflag:s15] =	ssyncadd.s32 $0xFFFFFFFF  }
0x96: {  	s16 =	sld [smem:$0x11];
	(tm) =	ssettm $0x1  }
0x97: {  	s17 =	sld [smem:$0x3FFB];
	_ =	sdelay $0x3  }
0x98: {  	_ =	strace s17  }
0x99: {  	s3 =	sld [smem:$0x3FFC];
	_ =	sdelay $0x3  }
0x9a: {  	_ =	strace s3  }
0x9b: {  	s3 =	sld [smem:$0x3FFD];
	_ =	sdelay $0x3  }
0x9c: {  	_ =	strace s3  }
0x9d: {  	_ =	strace $0x8FFFFFFF  }
0x9e: {  	s18 =	sld [smem:$0x3FDB];
	_ =	sdelay $0x1  }
0x9f: {  	s19 =	simm.s32 $_scs_section_size  }
0xa0: {  	s5 =	simm.s32 $_size__tile_overlayer_lowered;
	s6 =	simm.s32 $_tile_overlayer_lowered  }
0xa1: {  	s22 =	simm.s32 $0x1BFF;
	s21 =	sshll.u32 s6, $0x1;
	s3 =	sadd.s32 s19, s18  }
0xa2: {  	s7 =	simm.s32 $0x0;
	s20 =	sshll.u32 s5, $0x1;
	s5 =	sadd.s32 s21, s3  }
0xa3: {  	[timem:s7], [sflag:s22] =	dma.local [hbm:s5], s20  }
0xa4: {  	_ =	swait.ge [sflag:s22], s20  }
0xa5: {  	s4 =	ssub.s32 $0x0, s20;
	[sflag:s22] =	ssyncset.done $0x0  }
0xa6: {  	[sflag:s22] =	ssyncadd.s32 s4;
	_ =	sdelay $0x1  }
0xa7: {  	s23 =	simm.s32 $0x1B8B  }
0xa8: {  	_ =	swait.ge [sflag:s23], $0x1  }
0xa9: {  	[sflag:s23] =	ssyncset.done $0x0  }
0xaa: {  	s25 =	simm.s32 $0x1B8E;
	s24 =	sld [smem:$0x3FFE];
	[sflag:s23] =	ssyncadd.s32 $0xFFFFFFFF  }
0xab: {  	s26 =	simm.s32 $execute0_lowered;
	[smem:$0x3FD2] =	sst s25  }
0xac: {  	s5 =	sshll.u32 s26, $0x1;
	_ =	strace $0x80000046;
	[dreg:$0x1] =	wrdreg $0xFFFFFFFF  }
0xad: {  	s28 =	simm.s32 $_size_execute0_lowered;
	s3 =	sadd.s32 s3, s5;
	[dreg:$0x0] =	wrdreg $0x0  }
0xae: {  	s5 =	sshll.u32 s28, $0x1;
	[dreg:$0x2] =	wrdreg s3  }
0xaf: {  	[dreg:$0x3] =	wrdreg s5  }
0xb0: {  	[dreg:$0x4] =	wrdreg $0xC0  }
0xb1: {  	_ =	task [dreg:s7], $0x5FFFF  }
0xb2: {  	[dreg:$0x1] =	wrdreg $0xFFFFFFFF  }
0xb3: {  	[dreg:$0x0] =	wrdreg $0x60  }
0xb4: {  	[dreg:$0x2] =	wrdreg s24  }
0xb5: {  	[dreg:$0x3] =	wrdreg s16  }
0xb6: {  	[dreg:$0x4] =	wrdreg $0xA  }
0xb7: {  	_ =	task.clear_ibuf [dreg:s7], $0x5FFFF;
	_ =	strace $0x90000046  }
0xb8: {  	s29 =	simm.s32 $0xA;
	_ =	strace $0x80000048  }
0xb9: {  	_ =	swait.ge [sflag:s29], $0x1  }
0xba: {  	[sflag:s29] =	ssyncadd.s32 $0xFFFFFFFF  }
0xbb: {  	_ =	strace $0x90000048  }
0xbc: {  	_ =	sfence  }
0xbd: {  	s30 =	sld [smem:$0x0];
	_ =	sdelay $0x2  }
0xbe: {  	s31 =	sshll.u32 s1, $0xD;
	s1 =	sshrl.u32 s1, $0x2  }
0xbf: {  	s3 =	sand.u32 $0x4000, s31;
	s1 =	sadd.s32 s1, s30  }
0xc0: {  	s0 =	sor.u32 s3, s0;
	s1 =	sshll.u32 s1, $0x11  }
0xc1: {  	s0 =	sor.u32 s1, s0  }
0xc2: {  	s0 =	sadd.s32 $0x8F2B, s0  }
0xc3: {  	[sflag:s0] =	ssyncadd.remote.s32 $0x1  }
0xc4: {  	_ =	sfence.sel $0xFFFF  }
0xc5: {  	[dreg:$0x0] =	wrdreg $0xFFFFFFFF;
	(pc) =	sbr.abs _section_cstart, $3  }
0xc6: {  	[dreg:$0x1] =	wrdreg $0xFFFFFFFF  }
0xc7: {  	_ =	task.clear_ibuf [dreg:s7], $0x2FFFF;
	_ =	strace $0x9FFFFFFF  }
0xc8: {  	(tm) =	ssettm $0x7FFFFFFF  }
0xc9: {  	_ =	shalt  }
tec
execute0_lowered:
.L_overlay_start_1:
0x0: {  	(tag) =	ssettag $0x1  }
0x1: {  	s1 =	srdreg.scid  }
0x2: {  	s8 =	rddreg [dreg:$0x0];
	s0 =	stileid.u32;
	s10 =	sand.u32 $0x1, s1  }
0x3: {  	s9 =	rddreg [dreg:$0x1];
	s3 =	sshll.u32 s0, $0xD;
	s4 =	sshll.u32 s10, $0xC  }
0x4: {  	s2 =	simm.s32 $0x0;
	s1 =	rddreg [dreg:$0x2];
	s11 =	sor.u32 s4, s3  }
0x5: {  	[smem:$0x7FF] =	sst s2;
	s3 =	sshrl.u32 s11, $0x3  }
0x6: {  	_ =	strace $0x80000047;
	s4 =	sadd.s32 s9, s3;
	s3 =	simm.s32 $0x2  }
0x7: {  	[tilespmem:s2], [sflag:$0x2] =	stream.linear.gather [hbm4b:s4+s2], $0x800, $0x38;
	[tilespmem:$0x10800] =	vst v63  }
0x8: {  	_ =	swait.ge [sflag:s3], $0x800  }
0x9: {  	s6 =	simm.s32 $0x800;
	[sflag:s3] =	ssyncset.done $0x0  }
0xa: {  	s7 =	simm.s32 $0x1;
	s5 =	sadd.s32 $0x2800, s8;
	[sflag:s3] =	ssyncadd.s32 $0xFFFFF800  }
0xb: {  	[tilespmem:s6], [sflag:$0x1] =	stream.indirect.gather [hbm4b:s5+s6], $0x20, s2, s6, $0xb8;
	[tilespmem:$0x10800] =	vst v63  }
0xc: {  	_ =	swait.ge [sflag:s7], $0x10000  }
0xd: {  	s12 =	sadd.s32 $0x22800, s8;
	s28 =	sshll.u32 s11, $0x2;
	[sflag:s7] =	ssyncset.done $0x0  }
0xe: {  	s8 =	sadd.s32 s12, s28;
	[sflag:s7] =	ssyncadd.s32 $0xFFFF0000  }
0xf: {  	[hbm4b:s8+s2] =	stream.linear.scatter [tilespmem:s6], [sflag:$0x2], $0x10000, $0x38;
	[tilespmem:$0x10800] =	vst v63  }
0x10: {  	s11 =	sor.u32 $0x800, s11;
	_ =	swait.ge [sflag:s3], $0x10000  }
0x11: {  	s13 =	sshrl.u32 s11, $0x3;
	[sflag:s3] =	ssyncset.done $0x0  }
0x12: {  	s10 =	ssub.s32 $0x2, s10;
	s9 =	sadd.s32 s9, s13;
	[sflag:s3] =	ssyncadd.s32 $0xFFFF0000  }
0x13: {  	[tilespmem:s2], [sflag:$0x2] =	stream.linear.gather [hbm4b:s9+s2], $0x800, $0x38;
	[tilespmem:$0x10800] =	vst v63  }
0x14: {  	s29 =	sshrl.u32 s10, $0x1;
	_ =	swait.ge [sflag:s3], $0x800  }
0x15: {  	s13 =	ssub.s32 s10, s29;
	[sflag:s3] =	ssyncset.done $0x0  }
0x16: {  	s31 =	smax.u32 s13, $0x1;
	[sflag:s3] =	ssyncadd.s32 $0xFFFFF800  }
0x17: {  	[tilespmem:s6], [sflag:$0x1] =	stream.indirect.gather [hbm4b:s5+s6], $0x20, s2, s6, $0xb8;
	[tilespmem:$0x10800] =	vst v63  }
0x18: {  	p0 =	sne.s32 s31, $0x1;
	_ =	swait.ge [sflag:s7], $0x10000  }
.Ltmp0:
0x19: {  	s30 =	sshll.u32 s11, $0x2;
	[sflag:s7] =	ssyncset.done $0x0;
	(pc) =	sbr.rel @!p0 .LBB2_2-.Ltmp0, $4  }
0x1a: {  	s10 =	sadd.s32 s12, s30;
	[sflag:s7] =	ssyncadd.s32 $0xFFFF0000  }
0x1b: {  	[hbm4b:s10+s2] =	stream.linear.scatter [tilespmem:s6], [sflag:$0x2], $0x10000, $0x38;
	[tilespmem:$0x10800] =	vst v63  }
0x1c: {  	_ =	swait.ge [sflag:s3], $0x10000  }
0x1d: {  	s11 =	sadd.s32 $0xFFFFFFFF, s31;
	[sflag:s3] =	ssyncset.done $0x0  }
.LBB2_1:
0x1e: {  	p0 =	sne.s32 s11, $0x1;
	s11 =	sadd.s32 $0xFFFFFFFF, s11;
	[sflag:s3] =	ssyncadd.s32 $0xFFFF0000  }
0x1f: {  	[tilespmem:s2], [sflag:$0x2] =	stream.linear.gather [hbm4b:s4+s2], $0x800, $0x38;
	[tilespmem:$0x10800] =	vst v63  }
0x20: {  	_ =	swait.ge [sflag:s3], $0x800  }
0x21: {  	[sflag:s3] =	ssyncset.done $0x0  }
0x22: {  	[sflag:s3] =	ssyncadd.s32 $0xFFFFF800  }
0x23: {  	[tilespmem:s6], [sflag:$0x1] =	stream.indirect.gather [hbm4b:s5+s6], $0x20, s2, s6, $0xb8;
	[tilespmem:$0x10800] =	vst v63  }
0x24: {  	_ =	swait.ge [sflag:s7], $0x10000  }
0x25: {  	[sflag:s7] =	ssyncset.done $0x0  }
0x26: {  	[sflag:s7] =	ssyncadd.s32 $0xFFFF0000  }
0x27: {  	[hbm4b:s8+s2] =	stream.linear.scatter [tilespmem:s6], [sflag:$0x2], $0x10000, $0x38;
	[tilespmem:$0x10800] =	vst v63  }
0x28: {  	_ =	swait.ge [sflag:s3], $0x10000  }
0x29: {  	[sflag:s3] =	ssyncset.done $0x0  }
0x2a: {  	[sflag:s3] =	ssyncadd.s32 $0xFFFF0000  }
0x2b: {  	[tilespmem:s2], [sflag:$0x2] =	stream.linear.gather [hbm4b:s9+s2], $0x800, $0x38;
	[tilespmem:$0x10800] =	vst v63  }
0x2c: {  	_ =	swait.ge [sflag:s3], $0x800  }
0x2d: {  	[sflag:s3] =	ssyncset.done $0x0  }
0x2e: {  	[sflag:s3] =	ssyncadd.s32 $0xFFFFF800  }
0x2f: {  	[tilespmem:s6], [sflag:$0x1] =	stream.indirect.gather [hbm4b:s5+s6], $0x20, s2, s6, $0xb8;
	[tilespmem:$0x10800] =	vst v63  }
0x30: {  	_ =	swait.ge [sflag:s7], $0x10000  }
.Ltmp1:
0x31: {  	[sflag:s7] =	ssyncset.done $0x0;
	(pc) =	sbr.rel @p0 .LBB2_1-.Ltmp1, $4  }
0x32: {  	[sflag:s7] =	ssyncadd.s32 $0xFFFF0000  }
0x33: {  	[hbm4b:s10+s2] =	stream.linear.scatter [tilespmem:s6], [sflag:$0x2], $0x10000, $0x38;
	[tilespmem:$0x10800] =	vst v63  }
0x34: {  	_ =	swait.ge [sflag:s3], $0x10000  }
0x35: {  	[sflag:s3] =	ssyncset.done $0x0  }
.LBB2_2:
0x36: {  	[sflag:s3] =	ssyncadd.s32 $0xFFFF0000  }
0x37: {  	_ =	sfence.sel $0x180000  }
0x38: {  	[bflag:$0x0] =	sbarrier.arrive $0xFFFF  }
0x39: {  	p0 =	sne.s32 s0, $0x0;
	_ =	strace $0x90000047  }
0x3a: {  	s0 =	sadd.s32 @!p0 $0x100000, s1;
	[bflag:$0x2] =	sbarrier.arrive $0xFFFF  }
0x3b: {  	[sflag:s0] =	ssyncadd.tile.s32 @!p0 $0x1;
	_ =	shalt  }
.Lfunc_end2:
_tile_overlayer_lowered:
.L_overlay_start_2:
0x3c: {  	(tag) =	ssettag $0x2  }
0x3d: {  	s0 =	rddreg [dreg:$0x0];
	s2 =	stileid.u32  }
0x3e: {  	s1 =	rddreg [dreg:$0x1];
	p0 =	sne.s32 s2, $0x0  }
0x3f: {  	s3 =	rddreg [dreg:$0x2];
	[bflag:$0x3] =	sbarrier.arrive $0xFFFF;
	s2 =	simm.s32 @!p0 $0x1C02  }
0x40: {  	[timem:s3], [sflag:s2] =	dma.local @!p0 [hbm:s0], s1  }
0x41: {  	s0 =	simm.s32 @!p0 $0x2  }
0x42: {  	_ =	swait.ge @!p0 [sflag:s0], s1  }
0x43: {  	s1 =	ssub.s32 @!p0 $0x0, s1;
	[sflag:s0] =	ssyncset.done @!p0 $0x0  }
0x44: {  	[sflag:s0] =	ssyncadd.s32 @!p0 s1  }
0x45: {  	[bflag:$0x3] =	sbarrier.arrive $0xFFFF  }
0x46: {  	_ =	shalt  }

</sc_bundles>
